<compile_context>
chip_gen: v7x
topology: tpu7x:2x2x1
jax: 0.10.2.dev20260603
libtpu: 0.0.44.dev20260713+nightly
codegen_flags: <defaults>
</compile_context>

<pallas_src>
import functools

import jax
import jax.numpy as jnp
from jax import lax
from jax.experimental import pallas as pl
from jax.experimental.pallas import tpu as pltpu
from jax.experimental.pallas import tpu_sc as plsc

_B = 2
_LEN = 7681
_DM = 256
_H = 8
_L = 4
_P = 4
_D = 32

_NW = 32
_SROWS_PER_W = 484
_SROWS_PAD = _NW * _SROWS_PER_W
_NOUT = _B * _LEN * _H
_NOUT_PAD = _SROWS_PAD * _H
_STEPS = _SROWS_PER_W // 4
_G = 32
_NIDX = _G * 64
_BLK = _SROWS_PAD // 8


def _proj_body(q_ref, if_ref, rp_ref, wv_ref, bv_ref, woff_ref, boffm_ref,
               e_ref, wattn_ref, battn_ref, v_ref, s_ref, a_ref):
    v_ref[...] = (jnp.dot(if_ref[...], wv_ref[...],
                          preferred_element_type=jnp.float32) + bv_ref[...])
    rp = rp_ref[...]
    rp_hi = rp.astype(jnp.bfloat16).astype(jnp.float32)
    rp_lo = rp - rp_hi
    s_ref[...] = (jnp.dot(q_ref[...], woff_ref[...],
                          preferred_element_type=jnp.float32)
                  + jnp.dot(rp_hi, e_ref[...],
                            preferred_element_type=jnp.float32)
                  + jnp.dot(rp_lo, e_ref[...],
                            preferred_element_type=jnp.float32)
                  + boffm_ref[...])
    a_ref[...] = (jnp.dot(q_ref[...], wattn_ref[...],
                          preferred_element_type=jnp.float32) + battn_ref[...])


def _out_body(x_ref, w_ref, b_ref, o_ref):
    o_ref[...] = (jnp.dot(x_ref[...], w_ref[...],
                          preferred_element_type=jnp.float32) + b_ref[...])


def _row_spec(n):
    return pl.BlockSpec((_BLK, n), lambda i: (i, 0))


def _full_spec(m, n):
    return pl.BlockSpec((m, n), lambda i: (0, 0))


def _sc_body(wh_hbm, table_hbm, s_hbm, a_hbm, out_hbm,
             whv, sbuf, abuf, idxbuf, wbuf, rowsbuf, outv, sem):
    wid = lax.axis_index("s") * 2 + lax.axis_index("c")
    row_base = wid * _SROWS_PER_W

    ar16 = lax.iota(jnp.int32, 16)

    pltpu.sync_copy(wh_hbm, whv)
    wlv = whv[0, :]
    hlv = whv[1, :]
    stv = whv[2, :]
    wlv_i = wlv.astype(jnp.int32)
    hlv_i = hlv.astype(jnp.int32)
    stv_i = stv.astype(jnp.int32)

    def step_body(step, _):
        r0 = row_base + step * 4
        o0 = r0 * _H
        pltpu.sync_copy(s_hbm.at[pl.ds(r0, 4)], sbuf)
        pltpu.sync_copy(a_hbm.at[pl.ds(r0, 4)], abuf)

        def samp_body(o_local, __):
            og = o0 + o_local
            h = lax.rem(o_local, _H)
            srow = o_local // _H
            b = jnp.where(og >= _LEN * _H, 1, 0)

            def _bfly(v, f):
                for s in (8, 4, 2, 1):
                    v = f(v, v.at[jnp.bitwise_xor(ar16, s)]
                          .get(mode="promise_in_bounds"))
                return v

            lg = abuf[srow, pl.ds(h * 16, 16)]
            m = _bfly(lg, jnp.maximum)
            e = jnp.exp(lg - m)
            aw = e / _bfly(e, lambda u, v: u + v)

            rsp = jnp.full((16,), srow, jnp.int32)
            xcol = h * 32 + 2 * ar16
            x = plsc.load_gather(sbuf, [rsp, xcol])
            y = plsc.load_gather(sbuf, [rsp, xcol + 1])

            xi = x.astype(jnp.int32)
            x0 = jnp.where(xi.astype(jnp.float32) > x, xi - 1, xi)
            fx = x - x0.astype(jnp.float32)
            yi = y.astype(jnp.int32)
            y0 = jnp.where(yi.astype(jnp.float32) > y, yi - 1, yi)
            fy = y - y0.astype(jnp.float32)

            addend = b * (_LEN * _H) + h
            for ci, (dy, dx) in enumerate(((0, 0), (0, 1), (1, 0), (1, 1))):
                xc = x0 + dx
                yc = y0 + dy
                valid = ((xc >= 0) & (xc <= wlv_i - 1)
                         & (yc >= 0) & (yc <= hlv_i - 1))
                xcc = jnp.clip(xc, 0, wlv_i - 1)
                ycc = jnp.clip(yc, 0, hlv_i - 1)
                rowi = (ycc * wlv_i + xcc + stv_i) * _H + addend
                wx = fx if dx else 1.0 - fx
                wy = fy if dy else 1.0 - fy
                wgt = jnp.where(valid, wy * wx * aw, 0.0)
                f = o_local * 64 + ci * 16
                fr = f // 128
                fc = lax.rem(f, 128)
                idxbuf[fr, pl.ds(fc, 16)] = rowi
                wbuf[fr, pl.ds(fc, 16)] = wgt
            return __

        lax.fori_loop(0, _G, samp_body, 0, unroll=False)

        copies = [pltpu.async_copy(table_hbm.at[idxbuf.at[jc]],
                                   rowsbuf.at[pl.ds(jc * 128, 128)], sem)
                  for jc in range(_NIDX // 128)]
        for c in copies:
            c.wait()

        def acc_body(o_local, __):
            wvecs = []
            for u in range(4):
                f0 = o_local * 64 + u * 16
                wvecs.append(wbuf[f0 // 128, pl.ds(lax.rem(f0, 128), 16)])

            def j_body(j, accs):
                a = list(accs)
                jv = jnp.full((16,), j, jnp.int32)
                for u in range(4):
                    w = wvecs[u].at[jv].get(mode="promise_in_bounds")
                    f = o_local * 64 + u * 16 + j
                    a[2 * u] = a[2 * u] + w * rowsbuf[f, pl.ds(0, 16)]
                    a[2 * u + 1] = a[2 * u + 1] + w * rowsbuf[f, pl.ds(16, 16)]
                return tuple(a)

            z = jnp.zeros((16,), jnp.float32)
            accs = lax.fori_loop(0, 16, j_body, (z,) * 8, unroll=2)
            outv[o_local, pl.ds(0, 16)] = (accs[0] + accs[2]) + (accs[4] + accs[6])
            outv[o_local, pl.ds(16, 16)] = (accs[1] + accs[3]) + (accs[5] + accs[7])
            return __

        lax.fori_loop(0, _G, acc_body, 0, unroll=False)
        pltpu.sync_copy(outv, out_hbm.at[pl.ds(o0, _G)])
        return _

    lax.fori_loop(0, _STEPS, step_body, 0, unroll=False)


_sc_gather = pl.kernel(
    _sc_body,
    out_type=jax.ShapeDtypeStruct((_NOUT_PAD, _D), jnp.float32),
    mesh=plsc.VectorSubcoreMesh(core_axis_name="c", subcore_axis_name="s"),
    compiler_params=pltpu.CompilerParams(needs_layout_passes=False,
                                         use_tc_tiling_on_sc=False),
    scratch_types=[
        pltpu.VMEM((3, 16), jnp.float32),
        pltpu.VMEM((4, _DM), jnp.float32),
        pltpu.VMEM((4, _H * 16), jnp.float32),
        pltpu.VMEM((_NIDX // 128, 128), jnp.int32),
        pltpu.VMEM((_NIDX // 128, 128), jnp.float32),
        pltpu.VMEM((_NIDX, _D), jnp.float32),
        pltpu.VMEM((_G, _D), jnp.float32),
        pltpu.SemaphoreType.DMA,
    ],
)


@jax.jit
def kernel(query, reference_points, input_flatten, input_spatial_shapes,
           input_level_start_index, Wv, bv, Woff, boff, Wattn, battn,
           Wout, bout):
    Bn, Lq, _ = query.shape

    q2 = query.reshape(Bn * Lq, _DM)
    if2 = input_flatten.reshape(Bn * Lq, _DM)
    rp2 = reference_points.reshape(Bn * Lq, _L * 2)
    pad = _SROWS_PAD - Bn * Lq
    q2 = jnp.pad(q2, ((0, pad), (0, 0)))
    if2 = jnp.pad(if2, ((0, pad), (0, 0)))
    rp2 = jnp.pad(rp2, ((0, pad), (0, 0)))

    wh = input_spatial_shapes.astype(jnp.float32)
    scale = jnp.stack([wh[:, 1], wh[:, 0]], axis=-1)
    lc = jnp.arange(_L * 2)
    col_l = (jnp.arange(_H * _L * _P * 2) // (2 * _P)) % _L
    col_c = jnp.arange(_H * _L * _P * 2) % 2
    sel = ((col_l[None, :] * 2 + col_c[None, :]) == lc[:, None])
    E = jnp.where(sel, scale.reshape(_L * 2)[:, None], 0.0).astype(jnp.float32)

    boffm = (boff - 0.5).reshape(1, -1)

    outs = pl.pallas_call(
        _proj_body,
        grid=(_SROWS_PAD // _BLK,),
        in_specs=[
            _row_spec(_DM), _row_spec(_DM), _row_spec(_L * 2),
            _full_spec(_DM, _DM), _full_spec(1, _DM),
            _full_spec(_DM, _DM), _full_spec(1, _DM),
            _full_spec(_L * 2, _DM),
            _full_spec(_DM, _H * 16), _full_spec(1, _H * 16),
        ],
        out_specs=[_row_spec(_DM), _row_spec(_DM), _row_spec(_H * 16)],
        out_shape=[
            jax.ShapeDtypeStruct((_SROWS_PAD, _DM), jnp.float32),
            jax.ShapeDtypeStruct((_SROWS_PAD, _DM), jnp.float32),
            jax.ShapeDtypeStruct((_SROWS_PAD, _H * 16), jnp.float32),
        ],
    )(q2, if2, rp2, Wv, bv.reshape(1, -1), Woff, boffm, E,
      Wattn, battn.reshape(1, -1))
    value, S, A = outs

    table = value[:Bn * Lq].reshape(Bn * Lq * _H, _D)

    lvl = jnp.arange(16) // _P
    whlanes = jnp.stack([
        scale[:, 0][lvl], scale[:, 1][lvl],
        input_level_start_index.astype(jnp.float32)[lvl],
    ]).astype(jnp.float32)

    acc = _sc_gather(whlanes, table, S, A)

    acc2 = jnp.pad(acc[:_NOUT].reshape(Bn * Lq, _DM), ((0, pad), (0, 0)))

    out = pl.pallas_call(
        _out_body,
        grid=(_SROWS_PAD // _BLK,),
        in_specs=[_row_spec(_DM), _full_spec(_DM, _DM), _full_spec(1, _DM)],
        out_specs=_row_spec(_DM),
        out_shape=jax.ShapeDtypeStruct((_SROWS_PAD, _DM), jnp.float32),
    )(acc2, Wout, bout.reshape(1, -1))

    return out[:Bn * Lq].reshape(Bn, Lq, _DM)

# --- scband reference (transcript-rebuilt; emitter-appended) ---
"""Pipeline reference for scband-msdeform-attn-58789512347731 (READ-ONLY COPY).

The authoritative reference and input builder live on the scoring server;
editing this copy changes nothing except your own understanding.
"""

import jax, jax.numpy as jnp
import numpy as np

SPATIAL_SHAPES = [(76, 76), (38, 38), (19, 19), (10, 10)]
LEVEL_START = [0, 5776, 7220, 7581]
LEN_IN = 7681
B = 2
N_HEADS = 8
N_LEVELS = 4
N_POINTS = 4
D_MODEL = 256
D_HEAD = 32


def setup_inputs(seed: int = 0):
    key = jax.random.key(seed)
    ks = jax.random.split(key, 16)
    query = jax.random.normal(ks[0], (B, LEN_IN, D_MODEL), dtype=jnp.float32)
    reference_points = jax.random.uniform(ks[1], (B, LEN_IN, N_LEVELS, 2), dtype=jnp.float32)
    input_flatten = jax.random.normal(ks[2], (B, LEN_IN, D_MODEL), dtype=jnp.float32)
    input_spatial_shapes = jnp.array(SPATIAL_SHAPES, dtype=jnp.int32)
    input_level_start_index = jnp.array(LEVEL_START, dtype=jnp.int32)
    s = 0.02
    Wv = jax.random.normal(ks[3], (D_MODEL, D_MODEL), jnp.float32) * s
    bv = jnp.zeros((D_MODEL,), jnp.float32)
    Woff = jax.random.normal(ks[4], (D_MODEL, N_HEADS * N_LEVELS * N_POINTS * 2), jnp.float32) * s
    boff = jax.random.normal(ks[5], (N_HEADS * N_LEVELS * N_POINTS * 2,), jnp.float32) * 0.5
    Wattn = jax.random.normal(ks[6], (D_MODEL, N_HEADS * N_LEVELS * N_POINTS), jnp.float32) * s
    battn = jnp.zeros((N_HEADS * N_LEVELS * N_POINTS,), jnp.float32)
    Wout = jax.random.normal(ks[7], (D_MODEL, D_MODEL), jnp.float32) * s
    bout = jnp.zeros((D_MODEL,), jnp.float32)
    return {"query": query, "reference_points": reference_points, "input_flatten": input_flatten,
            "input_spatial_shapes": input_spatial_shapes, "input_level_start_index": input_level_start_index,
            "Wv": Wv, "bv": bv, "Woff": Woff, "boff": boff, "Wattn": Wattn, "battn": battn,
            "Wout": Wout, "bout": bout}


def _ms_deform_attn_core(value, sampling_locations, attention_weights):
    Bn, Len_in, H, D = value.shape
    Lq = sampling_locations.shape[1]
    P = sampling_locations.shape[4]
    acc = jnp.zeros((Bn, Lq, H, D), jnp.float32)
    for l, (Hl, Wl) in enumerate(SPATIAL_SHAPES):
        start = LEVEL_START[l]
        v = value[:, start:start + Hl * Wl]
        fl = jnp.transpose(v, (0, 2, 1, 3))
        loc = sampling_locations[:, :, :, l]
        x = loc[..., 0] * Wl - 0.5
        y = loc[..., 1] * Hl - 0.5
        x0 = jnp.floor(x)
        y0 = jnp.floor(y)
        wx1 = x - x0
        wx0 = 1.0 - wx1
        wy1 = y - y0
        wy0 = 1.0 - wy1

        def gather(yy, xx):
            valid = (xx >= 0) & (xx <= Wl - 1) & (yy >= 0) & (yy <= Hl - 1)
            xxc = jnp.clip(xx, 0, Wl - 1).astype(jnp.int32)
            yyc = jnp.clip(yy, 0, Hl - 1).astype(jnp.int32)
            idx = yyc * Wl + xxc
            idx_t = jnp.transpose(idx, (0, 2, 1, 3)).reshape(Bn, H, Lq * P)
            g = jnp.take_along_axis(fl, idx_t[:, :, :, None], axis=2)
            g = jnp.transpose(g.reshape(Bn, H, Lq, P, D), (0, 2, 1, 3, 4))
            return g * valid[..., None].astype(jnp.float32)

        samp = gather(y0, x0) * (wy0 * wx0)[..., None]
        samp = samp + gather(y0, x0 + 1.0) * (wy0 * wx1)[..., None]
        samp = samp + gather(y0 + 1.0, x0) * (wy1 * wx0)[..., None]
        samp = samp + gather(y0 + 1.0, x0 + 1.0) * (wy1 * wx1)[..., None]
        w = attention_weights[:, :, :, l, :, None]
        acc = acc + (samp * w).sum(axis=3)
    return acc.reshape(Bn, Lq, H * D)


def reference(query, reference_points, input_flatten, input_spatial_shapes, input_level_start_index,
              Wv, bv, Woff, boff, Wattn, battn, Wout, bout):
    Bn, Lq, _ = query.shape
    Len_in = input_flatten.shape[1]
    value = (input_flatten @ Wv + bv).reshape(Bn, Len_in, N_HEADS, D_HEAD)
    off = (query @ Woff + boff).reshape(Bn, Lq, N_HEADS, N_LEVELS, N_POINTS, 2)
    aw = (query @ Wattn + battn).reshape(Bn, Lq, N_HEADS, N_LEVELS * N_POINTS)
    aw = jax.nn.softmax(aw, axis=-1).reshape(Bn, Lq, N_HEADS, N_LEVELS, N_POINTS)
    normalizer = jnp.stack([input_spatial_shapes[..., 1], input_spatial_shapes[..., 0]], -1).astype(jnp.float32)
    sampling_locations = reference_points[:, :, None, :, None, :] + off / normalizer[None, None, None, :, None, :]
    out = _ms_deform_attn_core(value, sampling_locations, aw)
    return out @ Wout + bout

if __name__ == "__main__":
    import jax
    _d = setup_inputs()
    print(jax.jit(kernel)(*tuple(_d.values())))

</pallas_src>

<mosaic_0001>
#map = affine_map<(d0, d1) -> (0, 0)>
module attributes {stable_mosaic.version = 14 : i64} {
  func.func @_sc_body(%arg0: i32, %arg1: i32, %arg2: memref<3x16xf32, #tpu.memory_space<hbm>>, %arg3: memref<122896x32xf32, #tpu.memory_space<hbm>>, %arg4: memref<15488x256xf32, #tpu.memory_space<hbm>>, %arg5: memref<15488x128xf32, #tpu.memory_space<hbm>>, %arg6: memref<123904x32xf32, #tpu.memory_space<hbm>>, %arg7: memref<3x16xf32, #tpu.memory_space<vmem>>, %arg8: memref<4x256xf32, #tpu.memory_space<vmem>>, %arg9: memref<4x128xf32, #tpu.memory_space<vmem>>, %arg10: memref<16x128xi32, #tpu.memory_space<vmem>>, %arg11: memref<16x128xf32, #tpu.memory_space<vmem>>, %arg12: memref<2048x32xf32, #tpu.memory_space<vmem>>, %arg13: memref<32x32xf32, #tpu.memory_space<vmem>>, %arg14: memref<!tpu.dma_semaphore, #tpu.memory_space<semaphore_mem>>) attributes {dimension_semantics = [#tpu.dimension_semantics<core_parallel>, #tpu.dimension_semantics<subcore_parallel>], iteration_bounds = array<i64: 2, 16>, scalar_prefetch = 0 : i64, scratch_operands = 8 : i64, tpu.core_type = #tpu.core_type<sc_vector_subcore>, window_params = [{transform_indices = #map}, {transform_indices = #map}, {transform_indices = #map}, {transform_indices = #map}, {transform_indices = #map}]} {
    %mul3A = arith.constant 2 : i32
    %mul3A_0 = arith.muli %arg1, %mul3A : i32
    %add3A = arith.addi %mul3A_0, %arg0 : i32
    %mul3A_1 = arith.constant 484 : i32
    %mul3A_2 = arith.muli %add3A, %mul3A_1 : i32
    %iota3A = tpu.iota {dimensions = array<i32: 0>} : vector<16xi32>
    "tpu.region"() ({
      %run_scoped3A = tpu.sem_alloc : memref<!tpu.dma_semaphore, #tpu.memory_space<semaphore_mem>>
      tpu.enqueue_dma source(%arg2 : memref<3x16xf32, #tpu.memory_space<hbm>>) target(%arg7 : memref<3x16xf32, #tpu.memory_space<vmem>>) target_semaphore(%run_scoped3A : memref<!tpu.dma_semaphore, #tpu.memory_space<semaphore_mem>>)
      tpu.wait_dma2 semaphore(%run_scoped3A : memref<!tpu.dma_semaphore, #tpu.memory_space<semaphore_mem>>) src(%arg2 : memref<3x16xf32, #tpu.memory_space<hbm>>) dst(%arg7 : memref<3x16xf32, #tpu.memory_space<vmem>>)
      tpu.yield
    }) : () -> ()
    %get3A = arith.constant 0 : i32
    %get3A_3 = arith.index_cast %get3A : i32 to index
    %get3A_4 = arith.constant 0 : index
    %get3A_5 = tpu.vector_load %arg7[%get3A_3, %get3A_4] {strides = array<i32>} : memref<3x16xf32, #tpu.memory_space<vmem>>, vector<16xf32>,
    %get3A_6 = arith.constant 1 : i32
    %get3A_7 = arith.index_cast %get3A_6 : i32 to index
    %get3A_8 = arith.constant 0 : index
    %get3A_9 = tpu.vector_load %arg7[%get3A_7, %get3A_8] {strides = array<i32>} : memref<3x16xf32, #tpu.memory_space<vmem>>, vector<16xf32>,
    %get3A_10 = arith.constant 2 : i32
    %get3A_11 = arith.index_cast %get3A_10 : i32 to index
    %get3A_12 = arith.constant 0 : index
    %get3A_13 = tpu.vector_load %arg7[%get3A_11, %get3A_12] {strides = array<i32>} : memref<3x16xf32, #tpu.memory_space<vmem>>, vector<16xf32>,
    %convert_element_type3A = arith.fptosi %get3A_5 : vector<16xf32> to vector<16xi32>
    %convert_element_type3A_14 = arith.fptosi %get3A_9 : vector<16xf32> to vector<16xi32>
    %convert_element_type3A_15 = arith.fptosi %get3A_13 : vector<16xf32> to vector<16xi32>
    %scan3A = arith.constant 0 : i32
    %scan3A_16 = arith.constant 0 : i32
    %scan3A_17 = arith.constant 121 : i32
    %scan3A_18 = arith.addi %scan3A_16, %scan3A_17 : i32
    %scan3A_19 = arith.constant 1 : i32
    scf.for %scan3A_21 = %scan3A_16 to %scan3A_18 step %scan3A_19  : i32 {
      %mul3A_22 = arith.constant 4 : i32
      %mul3A_23 = arith.muli %scan3A_21, %mul3A_22 : i32
      %add3A_24 = arith.addi %mul3A_2, %mul3A_23 : i32
      %mul3A_25 = arith.constant 8 : i32
      %mul3A_26 = arith.muli %add3A_24, %mul3A_25 : i32
      "tpu.region"() ({
        %run_scoped3A = tpu.sem_alloc : memref<!tpu.dma_semaphore, #tpu.memory_space<semaphore_mem>>
        %dma_start3A_357 = arith.constant 0 : i32
        %dma_start3A_358 = tpu.memref_slice %arg4[%add3A_24, %dma_start3A_357] : memref<15488x256xf32, #tpu.memory_space<hbm>> -> memref<4x256xf32, #tpu.memory_space<hbm>>
        %dma_start3A_359 = arith.constant 0 : i32
        %dma_start3A_360 = tpu.memref_slice %arg4[%add3A_24, %dma_start3A_359] : memref<15488x256xf32, #tpu.memory_space<hbm>> -> memref<4x256xf32, #tpu.memory_space<hbm>>
        tpu.enqueue_dma source(%dma_start3A_360 : memref<4x256xf32, #tpu.memory_space<hbm>>) target(%arg8 : memref<4x256xf32, #tpu.memory_space<vmem>>) target_semaphore(%run_scoped3A : memref<!tpu.dma_semaphore, #tpu.memory_space<semaphore_mem>>)
        %dma_wait3A_361 = arith.constant 0 : i32
        %dma_wait3A_362 = tpu.memref_slice %arg4[%add3A_24, %dma_wait3A_361] : memref<15488x256xf32, #tpu.memory_space<hbm>> -> memref<4x256xf32, #tpu.memory_space<hbm>>
        %dma_wait3A_363 = arith.constant 0 : i32
        %dma_wait3A_364 = tpu.memref_slice %arg4[%add3A_24, %dma_wait3A_363] : memref<15488x256xf32, #tpu.memory_space<hbm>> -> memref<4x256xf32, #tpu.memory_space<hbm>>
        tpu.wait_dma2 semaphore(%run_scoped3A : memref<!tpu.dma_semaphore, #tpu.memory_space<semaphore_mem>>) src(%dma_wait3A_364 : memref<4x256xf32, #tpu.memory_space<hbm>>) dst(%arg8 : memref<4x256xf32, #tpu.memory_space<vmem>>)
        tpu.yield
      }) : () -> ()
      "tpu.region"() ({
        %run_scoped3A = tpu.sem_alloc : memref<!tpu.dma_semaphore, #tpu.memory_space<semaphore_mem>>
        %dma_start3A_357 = arith.constant 0 : i32
        %dma_start3A_358 = tpu.memref_slice %arg5[%add3A_24, %dma_start3A_357] : memref<15488x128xf32, #tpu.memory_space<hbm>> -> memref<4x128xf32, #tpu.memory_space<hbm>>
        %dma_start3A_359 = arith.constant 0 : i32
        %dma_start3A_360 = tpu.memref_slice %arg5[%add3A_24, %dma_start3A_359] : memref<15488x128xf32, #tpu.memory_space<hbm>> -> memref<4x128xf32, #tpu.memory_space<hbm>>
        tpu.enqueue_dma source(%dma_start3A_360 : memref<4x128xf32, #tpu.memory_space<hbm>>) target(%arg9 : memref<4x128xf32, #tpu.memory_space<vmem>>) target_semaphore(%run_scoped3A : memref<!tpu.dma_semaphore, #tpu.memory_space<semaphore_mem>>)
        %dma_wait3A_361 = arith.constant 0 : i32
        %dma_wait3A_362 = tpu.memref_slice %arg5[%add3A_24, %dma_wait3A_361] : memref<15488x128xf32, #tpu.memory_space<hbm>> -> memref<4x128xf32, #tpu.memory_space<hbm>>
        %dma_wait3A_363 = arith.constant 0 : i32
        %dma_wait3A_364 = tpu.memref_slice %arg5[%add3A_24, %dma_wait3A_363] : memref<15488x128xf32, #tpu.memory_space<hbm>> -> memref<4x128xf32, #tpu.memory_space<hbm>>
        tpu.wait_dma2 semaphore(%run_scoped3A : memref<!tpu.dma_semaphore, #tpu.memory_space<semaphore_mem>>) src(%dma_wait3A_364 : memref<4x128xf32, #tpu.memory_space<hbm>>) dst(%arg9 : memref<4x128xf32, #tpu.memory_space<vmem>>)
        tpu.yield
      }) : () -> ()
      %scan3A_27 = arith.constant 0 : i32
      %scan3A_28 = arith.constant 0 : i32
      %scan3A_29 = arith.constant 32 : i32
      %scan3A_30 = arith.addi %scan3A_28, %scan3A_29 : i32
      %scan3A_31 = arith.constant 1 : i32
      scf.for %scan3A_357 = %scan3A_28 to %scan3A_30 step %scan3A_31  : i32 {
        %add3A_358 = arith.addi %mul3A_26, %scan3A_357 : i32
        %rem3A = arith.constant 8 : i32
        %rem3A_359 = arith.remsi %scan3A_357, %rem3A : i32
        %jit3A = arith.constant 8 : i32
        %div3A = arith.divsi %scan3A_357, %jit3A : i32
        %sign3A = arith.constant 0 : i32
        %sign3A_360 = arith.cmpi sgt, %scan3A_357, %sign3A : i32
        %sign3A_361 = arith.extui %sign3A_360 : i1 to i32
        %sign3A_362 = arith.constant 0 : i32
        %sign3A_363 = arith.cmpi slt, %scan3A_357, %sign3A_362 : i32
        %sign3A_364 = arith.extui %sign3A_363 : i1 to i32
        %sign3A_365 = arith.subi %sign3A_361, %sign3A_364 : i32
        %sign3A_366 = arith.constant 0 : i32
        %sign3A_367 = arith.cmpi sgt, %jit3A, %sign3A_366 : i32
        %sign3A_368 = arith.extui %sign3A_367 : i1 to i32
        %sign3A_369 = arith.constant 0 : i32
        %sign3A_370 = arith.cmpi slt, %jit3A, %sign3A_369 : i32
        %sign3A_371 = arith.extui %sign3A_370 : i1 to i32
        %sign3A_372 = arith.subi %sign3A_368, %sign3A_371 : i32
        %ne3A = arith.cmpi ne, %sign3A_365, %sign3A_372 : i32
        %rem3A_373 = arith.remsi %scan3A_357, %jit3A : i32
        %ne3A_374 = arith.constant 0 : i32
        %ne3A_375 = arith.cmpi ne, %rem3A_373, %ne3A_374 : i32
        %and3A = arith.andi %ne3A, %ne3A_375 : i1
        %sub3A = arith.constant 1 : i32
        %sub3A_376 = arith.subi %div3A, %sub3A : i32
        %select_n3A = arith.select %and3A, %sub3A_376, %div3A : i32
        %ge3A = arith.constant 61448 : i32
        %ge3A_377 = arith.cmpi sge, %add3A_358, %ge3A : i32
        %jit3A_378 = arith.constant 1 : i32
        %jit3A_379 = arith.constant 0 : i32
        %select_n3A_380 = arith.select %ge3A_377, %jit3A_378, %jit3A_379 : i32
        %mul3A_381 = arith.constant 16 : i32
        %mul3A_382 = arith.muli %rem3A_359, %mul3A_381 : i32
        %get3A_383 = arith.index_cast %select_n3A : i32 to index
        %get3A_384 = arith.index_cast %mul3A_382 : i32 to index
        %get3A_385 = tpu.vector_load %arg9[%get3A_383, %get3A_384] {strides = array<i32>} : memref<4x128xf32, #tpu.memory_space<vmem>>, vector<16xf32>,
        %xor3A = arith.constant 8 : i32
        %xor3A_386 = vector.broadcast %xor3A : i32 to vector<16xi32>
        %xor3A_387 = arith.xori %iota3A, %xor3A_386 : vector<16xi32>
        %lt3A = arith.constant 0 : i32
        %lt3A_388 = vector.broadcast %lt3A : i32 to vector<16xi32>
        %lt3A_389 = arith.cmpi slt, %xor3A_387, %lt3A_388 : vector<16xi32>
        %add3A_390 = arith.constant 16 : i32
        %add3A_391 = vector.broadcast %add3A_390 : i32 to vector<16xi32>
        %add3A_392 = arith.addi %xor3A_387, %add3A_391 : vector<16xi32>
        %select_n3A_393 = arith.select %lt3A_389, %add3A_392, %xor3A_387 : vector<16xi1>, vector<16xi32>
        %broadcast_in_dim3A = vector.shape_cast %select_n3A_393 : vector<16xi32> to vector<16x1xi32>
        %gather3A = vector.shape_cast %broadcast_in_dim3A : vector<16x1xi32> to vector<16xi32>
        %gather3A_394 = tpu.dynamic_gather %get3A_385[%gather3A] in [0] : vector<16xf32>, vector<16xi32> -> vector<16xf32>
        %max3A = arith.maximumf %get3A_385, %gather3A_394 : vector<16xf32>
        %xor3A_395 = arith.constant 4 : i32
        %xor3A_396 = vector.broadcast %xor3A_395 : i32 to vector<16xi32>
        %xor3A_397 = arith.xori %iota3A, %xor3A_396 : vector<16xi32>
        %lt3A_398 = arith.constant 0 : i32
        %lt3A_399 = vector.broadcast %lt3A_398 : i32 to vector<16xi32>
        %lt3A_400 = arith.cmpi slt, %xor3A_397, %lt3A_399 : vector<16xi32>
        %add3A_401 = arith.constant 16 : i32
        %add3A_402 = vector.broadcast %add3A_401 : i32 to vector<16xi32>
        %add3A_403 = arith.addi %xor3A_397, %add3A_402 : vector<16xi32>
        %select_n3A_404 = arith.select %lt3A_400, %add3A_403, %xor3A_397 : vector<16xi1>, vector<16xi32>
        %broadcast_in_dim3A_405 = vector.shape_cast %select_n3A_404 : vector<16xi32> to vector<16x1xi32>
        %gather3A_406 = vector.shape_cast %broadcast_in_dim3A_405 : vector<16x1xi32> to vector<16xi32>
        %gather3A_407 = tpu.dynamic_gather %max3A[%gather3A_406] in [0] : vector<16xf32>, vector<16xi32> -> vector<16xf32>
        %max3A_408 = arith.maximumf %max3A, %gather3A_407 : vector<16xf32>
        %xor3A_409 = arith.constant 2 : i32
        %xor3A_410 = vector.broadcast %xor3A_409 : i32 to vector<16xi32>
        %xor3A_411 = arith.xori %iota3A, %xor3A_410 : vector<16xi32>
        %lt3A_412 = arith.constant 0 : i32
        %lt3A_413 = vector.broadcast %lt3A_412 : i32 to vector<16xi32>
        %lt3A_414 = arith.cmpi slt, %xor3A_411, %lt3A_413 : vector<16xi32>
        %add3A_415 = arith.constant 16 : i32
        %add3A_416 = vector.broadcast %add3A_415 : i32 to vector<16xi32>
        %add3A_417 = arith.addi %xor3A_411, %add3A_416 : vector<16xi32>
        %select_n3A_418 = arith.select %lt3A_414, %add3A_417, %xor3A_411 : vector<16xi1>, vector<16xi32>
        %broadcast_in_dim3A_419 = vector.shape_cast %select_n3A_418 : vector<16xi32> to vector<16x1xi32>
        %gather3A_420 = vector.shape_cast %broadcast_in_dim3A_419 : vector<16x1xi32> to vector<16xi32>
        %gather3A_421 = tpu.dynamic_gather %max3A_408[%gather3A_420] in [0] : vector<16xf32>, vector<16xi32> -> vector<16xf32>
        %max3A_422 = arith.maximumf %max3A_408, %gather3A_421 : vector<16xf32>
        %xor3A_423 = arith.constant 1 : i32
        %xor3A_424 = vector.broadcast %xor3A_423 : i32 to vector<16xi32>
        %xor3A_425 = arith.xori %iota3A, %xor3A_424 : vector<16xi32>
        %lt3A_426 = arith.constant 0 : i32
        %lt3A_427 = vector.broadcast %lt3A_426 : i32 to vector<16xi32>
        %lt3A_428 = arith.cmpi slt, %xor3A_425, %lt3A_427 : vector<16xi32>
        %add3A_429 = arith.constant 16 : i32
        %add3A_430 = vector.broadcast %add3A_429 : i32 to vector<16xi32>
        %add3A_431 = arith.addi %xor3A_425, %add3A_430 : vector<16xi32>
        %select_n3A_432 = arith.select %lt3A_428, %add3A_431, %xor3A_425 : vector<16xi1>, vector<16xi32>
        %broadcast_in_dim3A_433 = vector.shape_cast %select_n3A_432 : vector<16xi32> to vector<16x1xi32>
        %gather3A_434 = vector.shape_cast %broadcast_in_dim3A_433 : vector<16x1xi32> to vector<16xi32>
        %gather3A_435 = tpu.dynamic_gather %max3A_422[%gather3A_434] in [0] : vector<16xf32>, vector<16xi32> -> vector<16xf32>
        %max3A_436 = arith.maximumf %max3A_422, %gather3A_435 : vector<16xf32>
        %sub3A_437 = arith.subf %get3A_385, %max3A_436 : vector<16xf32>
        %exp3A = math.exp %sub3A_437 : vector<16xf32>
        %xor3A_438 = arith.constant 8 : i32
        %xor3A_439 = vector.broadcast %xor3A_438 : i32 to vector<16xi32>
        %xor3A_440 = arith.xori %iota3A, %xor3A_439 : vector<16xi32>
        %lt3A_441 = arith.constant 0 : i32
        %lt3A_442 = vector.broadcast %lt3A_441 : i32 to vector<16xi32>
        %lt3A_443 = arith.cmpi slt, %xor3A_440, %lt3A_442 : vector<16xi32>
        %add3A_444 = arith.constant 16 : i32
        %add3A_445 = vector.broadcast %add3A_444 : i32 to vector<16xi32>
        %add3A_446 = arith.addi %xor3A_440, %add3A_445 : vector<16xi32>
        %select_n3A_447 = arith.select %lt3A_443, %add3A_446, %xor3A_440 : vector<16xi1>, vector<16xi32>
        %broadcast_in_dim3A_448 = vector.shape_cast %select_n3A_447 : vector<16xi32> to vector<16x1xi32>
        %gather3A_449 = vector.shape_cast %broadcast_in_dim3A_448 : vector<16x1xi32> to vector<16xi32>
        %gather3A_450 = tpu.dynamic_gather %exp3A[%gather3A_449] in [0] : vector<16xf32>, vector<16xi32> -> vector<16xf32>
        %add3A_451 = arith.addf %exp3A, %gather3A_450 : vector<16xf32>
        %xor3A_452 = arith.constant 4 : i32
        %xor3A_453 = vector.broadcast %xor3A_452 : i32 to vector<16xi32>
        %xor3A_454 = arith.xori %iota3A, %xor3A_453 : vector<16xi32>
        %lt3A_455 = arith.constant 0 : i32
        %lt3A_456 = vector.broadcast %lt3A_455 : i32 to vector<16xi32>
        %lt3A_457 = arith.cmpi slt, %xor3A_454, %lt3A_456 : vector<16xi32>
        %add3A_458 = arith.constant 16 : i32
        %add3A_459 = vector.broadcast %add3A_458 : i32 to vector<16xi32>
        %add3A_460 = arith.addi %xor3A_454, %add3A_459 : vector<16xi32>
        %select_n3A_461 = arith.select %lt3A_457, %add3A_460, %xor3A_454 : vector<16xi1>, vector<16xi32>
        %broadcast_in_dim3A_462 = vector.shape_cast %select_n3A_461 : vector<16xi32> to vector<16x1xi32>
        %gather3A_463 = vector.shape_cast %broadcast_in_dim3A_462 : vector<16x1xi32> to vector<16xi32>
        %gather3A_464 = tpu.dynamic_gather %add3A_451[%gather3A_463] in [0] : vector<16xf32>, vector<16xi32> -> vector<16xf32>
        %add3A_465 = arith.addf %add3A_451, %gather3A_464 : vector<16xf32>
        %xor3A_466 = arith.constant 2 : i32
        %xor3A_467 = vector.broadcast %xor3A_466 : i32 to vector<16xi32>
        %xor3A_468 = arith.xori %iota3A, %xor3A_467 : vector<16xi32>
        %lt3A_469 = arith.constant 0 : i32
        %lt3A_470 = vector.broadcast %lt3A_469 : i32 to vector<16xi32>
        %lt3A_471 = arith.cmpi slt, %xor3A_468, %lt3A_470 : vector<16xi32>
        %add3A_472 = arith.constant 16 : i32
        %add3A_473 = vector.broadcast %add3A_472 : i32 to vector<16xi32>
        %add3A_474 = arith.addi %xor3A_468, %add3A_473 : vector<16xi32>
        %select_n3A_475 = arith.select %lt3A_471, %add3A_474, %xor3A_468 : vector<16xi1>, vector<16xi32>
        %broadcast_in_dim3A_476 = vector.shape_cast %select_n3A_475 : vector<16xi32> to vector<16x1xi32>
        %gather3A_477 = vector.shape_cast %broadcast_in_dim3A_476 : vector<16x1xi32> to vector<16xi32>
        %gather3A_478 = tpu.dynamic_gather %add3A_465[%gather3A_477] in [0] : vector<16xf32>, vector<16xi32> -> vector<16xf32>
        %add3A_479 = arith.addf %add3A_465, %gather3A_478 : vector<16xf32>
        %xor3A_480 = arith.constant 1 : i32
        %xor3A_481 = vector.broadcast %xor3A_480 : i32 to vector<16xi32>
        %xor3A_482 = arith.xori %iota3A, %xor3A_481 : vector<16xi32>
        %lt3A_483 = arith.constant 0 : i32
        %lt3A_484 = vector.broadcast %lt3A_483 : i32 to vector<16xi32>
        %lt3A_485 = arith.cmpi slt, %xor3A_482, %lt3A_484 : vector<16xi32>
        %add3A_486 = arith.constant 16 : i32
        %add3A_487 = vector.broadcast %add3A_486 : i32 to vector<16xi32>
        %add3A_488 = arith.addi %xor3A_482, %add3A_487 : vector<16xi32>
        %select_n3A_489 = arith.select %lt3A_485, %add3A_488, %xor3A_482 : vector<16xi1>, vector<16xi32>
        %broadcast_in_dim3A_490 = vector.shape_cast %select_n3A_489 : vector<16xi32> to vector<16x1xi32>
        %gather3A_491 = vector.shape_cast %broadcast_in_dim3A_490 : vector<16x1xi32> to vector<16xi32>
        %gather3A_492 = tpu.dynamic_gather %add3A_479[%gather3A_491] in [0] : vector<16xf32>, vector<16xi32> -> vector<16xf32>
        %add3A_493 = arith.addf %add3A_479, %gather3A_492 : vector<16xf32>
        %div3A_494 = arith.divf %exp3A, %add3A_493 : vector<16xf32>
        %broadcast_in_dim3A_495 = vector.broadcast %select_n3A : i32 to vector<16xi32>
        %mul3A_496 = arith.constant 32 : i32
        %mul3A_497 = arith.muli %rem3A_359, %mul3A_496 : i32
        %mul3A_498 = arith.constant 2 : i32
        %mul3A_499 = vector.broadcast %mul3A_498 : i32 to vector<16xi32>
        %mul3A_500 = arith.muli %mul3A_499, %iota3A : vector<16xi32>
        %add3A_501 = vector.broadcast %mul3A_497 : i32 to vector<16xi32>
        %add3A_502 = arith.addi %add3A_501, %mul3A_500 : vector<16xi32>
        %gather3A_503 = tpu.vector_load_idx %arg8[%broadcast_in_dim3A_495, %add3A_502] : memref<4x256xf32, #tpu.memory_space<vmem>>[vector<16xi32>, vector<16xi32>], vector<16xf32>,
        %add3A_504 = arith.constant 1 : i32
        %add3A_505 = vector.broadcast %add3A_504 : i32 to vector<16xi32>
        %add3A_506 = arith.addi %add3A_502, %add3A_505 : vector<16xi32>
        %gather3A_507 = tpu.vector_load_idx %arg8[%broadcast_in_dim3A_495, %add3A_506] : memref<4x256xf32, #tpu.memory_space<vmem>>[vector<16xi32>, vector<16xi32>], vector<16xf32>,
        %convert_element_type3A_508 = arith.fptosi %gather3A_503 : vector<16xf32> to vector<16xi32>
        %convert_element_type3A_509 = arith.sitofp %convert_element_type3A_508 : vector<16xi32> to vector<16xf32>
        %gt3A = arith.cmpf ogt, %convert_element_type3A_509, %gather3A_503 : vector<16xf32>
        %sub3A_510 = arith.constant 1 : i32
        %sub3A_511 = vector.broadcast %sub3A_510 : i32 to vector<16xi32>
        %sub3A_512 = arith.subi %convert_element_type3A_508, %sub3A_511 : vector<16xi32>
        %select_n3A_513 = arith.select %gt3A, %sub3A_512, %convert_element_type3A_508 : vector<16xi1>, vector<16xi32>
        %convert_element_type3A_514 = arith.sitofp %select_n3A_513 : vector<16xi32> to vector<16xf32>
        %sub3A_515 = arith.subf %gather3A_503, %convert_element_type3A_514 : vector<16xf32>
        %convert_element_type3A_516 = arith.fptosi %gather3A_507 : vector<16xf32> to vector<16xi32>
        %convert_element_type3A_517 = arith.sitofp %convert_element_type3A_516 : vector<16xi32> to vector<16xf32>
        %gt3A_518 = arith.cmpf ogt, %convert_element_type3A_517, %gather3A_507 : vector<16xf32>
        %sub3A_519 = arith.constant 1 : i32
        %sub3A_520 = vector.broadcast %sub3A_519 : i32 to vector<16xi32>
        %sub3A_521 = arith.subi %convert_element_type3A_516, %sub3A_520 : vector<16xi32>
        %select_n3A_522 = arith.select %gt3A_518, %sub3A_521, %convert_element_type3A_516 : vector<16xi1>, vector<16xi32>
        %convert_element_type3A_523 = arith.sitofp %select_n3A_522 : vector<16xi32> to vector<16xf32>
        %sub3A_524 = arith.subf %gather3A_507, %convert_element_type3A_523 : vector<16xf32>
        %mul3A_525 = arith.constant 61448 : i32
        %mul3A_526 = arith.muli %select_n3A_380, %mul3A_525 : i32
        %add3A_527 = arith.addi %mul3A_526, %rem3A_359 : i32
        %add3A_528 = arith.constant 0 : i32
        %add3A_529 = vector.broadcast %add3A_528 : i32 to vector<16xi32>
        %add3A_530 = arith.addi %select_n3A_513, %add3A_529 : vector<16xi32>
        %add3A_531 = arith.constant 0 : i32
        %add3A_532 = vector.broadcast %add3A_531 : i32 to vector<16xi32>
        %add3A_533 = arith.addi %select_n3A_522, %add3A_532 : vector<16xi32>
        %ge3A_534 = arith.constant 0 : i32
        %ge3A_535 = vector.broadcast %ge3A_534 : i32 to vector<16xi32>
        %ge3A_536 = arith.cmpi sge, %add3A_530, %ge3A_535 : vector<16xi32>
        %sub3A_537 = arith.constant 1 : i32
        %sub3A_538 = vector.broadcast %sub3A_537 : i32 to vector<16xi32>
        %sub3A_539 = arith.subi %convert_element_type3A, %sub3A_538 : vector<16xi32>
        %le3A = arith.cmpi sle, %add3A_530, %sub3A_539 : vector<16xi32>
        %and3A_540 = arith.andi %ge3A_536, %le3A : vector<16xi1>
        %ge3A_541 = arith.constant 0 : i32
        %ge3A_542 = vector.broadcast %ge3A_541 : i32 to vector<16xi32>
        %ge3A_543 = arith.cmpi sge, %add3A_533, %ge3A_542 : vector<16xi32>
        %and3A_544 = arith.andi %and3A_540, %ge3A_543 : vector<16xi1>
        %sub3A_545 = arith.constant 1 : i32
        %sub3A_546 = vector.broadcast %sub3A_545 : i32 to vector<16xi32>
        %sub3A_547 = arith.subi %convert_element_type3A_14, %sub3A_546 : vector<16xi32>
        %le3A_548 = arith.cmpi sle, %add3A_533, %sub3A_547 : vector<16xi32>
        %and3A_549 = arith.andi %and3A_544, %le3A_548 : vector<16xi1>
        %sub3A_550 = arith.constant 1 : i32
        %sub3A_551 = vector.broadcast %sub3A_550 : i32 to vector<16xi32>
        %sub3A_552 = arith.subi %convert_element_type3A, %sub3A_551 : vector<16xi32>
        %jit3A_553 = arith.constant 0 : i32
        %max3A_554 = vector.broadcast %jit3A_553 : i32 to vector<16xi32>
        %max3A_555 = arith.maxsi %max3A_554, %add3A_530 : vector<16xi32>
        %min3A = arith.minsi %sub3A_552, %max3A_555 : vector<16xi32>
        %sub3A_556 = arith.constant 1 : i32
        %sub3A_557 = vector.broadcast %sub3A_556 : i32 to vector<16xi32>
        %sub3A_558 = arith.subi %convert_element_type3A_14, %sub3A_557 : vector<16xi32>
        %jit3A_559 = arith.constant 0 : i32
        %max3A_560 = vector.broadcast %jit3A_559 : i32 to vector<16xi32>
        %max3A_561 = arith.maxsi %max3A_560, %add3A_533 : vector<16xi32>
        %min3A_562 = arith.minsi %sub3A_558, %max3A_561 : vector<16xi32>
        %mul3A_563 = arith.muli %min3A_562, %convert_element_type3A : vector<16xi32>
        %add3A_564 = arith.addi %mul3A_563, %min3A : vector<16xi32>
        %add3A_565 = arith.addi %add3A_564, %convert_element_type3A_15 : vector<16xi32>
        %mul3A_566 = arith.constant 8 : i32
        %mul3A_567 = vector.broadcast %mul3A_566 : i32 to vector<16xi32>
        %mul3A_568 = arith.muli %add3A_565, %mul3A_567 : vector<16xi32>
        %add3A_569 = vector.broadcast %add3A_527 : i32 to vector<16xi32>
        %add3A_570 = arith.addi %mul3A_568, %add3A_569 : vector<16xi32>
        %sub3A_571 = arith.constant 1.000000e+00 : f32
        %sub3A_572 = vector.broadcast %sub3A_571 : f32 to vector<16xf32>
        %sub3A_573 = arith.subf %sub3A_572, %sub3A_515 : vector<16xf32>
        %sub3A_574 = arith.constant 1.000000e+00 : f32
        %sub3A_575 = vector.broadcast %sub3A_574 : f32 to vector<16xf32>
        %sub3A_576 = arith.subf %sub3A_575, %sub3A_524 : vector<16xf32>
        %mul3A_577 = arith.mulf %sub3A_576, %sub3A_573 : vector<16xf32>
        %mul3A_578 = arith.mulf %mul3A_577, %div3A_494 : vector<16xf32>
        %jit3A_579 = arith.constant 0.000000e+00 : f32
        %broadcast_in_dim3A_580 = vector.broadcast %jit3A_579 : f32 to vector<16xf32>
        %select_n3A_581 = arith.select %and3A_549, %mul3A_578, %broadcast_in_dim3A_580 : vector<16xi1>, vector<16xf32>
        %mul3A_582 = arith.constant 64 : i32
        %mul3A_583 = arith.muli %scan3A_357, %mul3A_582 : i32
        %add3A_584 = arith.constant 0 : i32
        %add3A_585 = arith.addi %mul3A_583, %add3A_584 : i32
        %jit3A_586 = arith.constant 128 : i32
        %div3A_587 = arith.divsi %add3A_585, %jit3A_586 : i32
        %sign3A_588 = arith.constant 0 : i32
        %sign3A_589 = arith.cmpi sgt, %add3A_585, %sign3A_588 : i32
        %sign3A_590 = arith.extui %sign3A_589 : i1 to i32
        %sign3A_591 = arith.constant 0 : i32
        %sign3A_592 = arith.cmpi slt, %add3A_585, %sign3A_591 : i32
        %sign3A_593 = arith.extui %sign3A_592 : i1 to i32
        %sign3A_594 = arith.subi %sign3A_590, %sign3A_593 : i32
        %sign3A_595 = arith.constant 0 : i32
        %sign3A_596 = arith.cmpi sgt, %jit3A_586, %sign3A_595 : i32
        %sign3A_597 = arith.extui %sign3A_596 : i1 to i32
        %sign3A_598 = arith.constant 0 : i32
        %sign3A_599 = arith.cmpi slt, %jit3A_586, %sign3A_598 : i32
        %sign3A_600 = arith.extui %sign3A_599 : i1 to i32
        %sign3A_601 = arith.subi %sign3A_597, %sign3A_600 : i32
        %ne3A_602 = arith.cmpi ne, %sign3A_594, %sign3A_601 : i32
        %rem3A_603 = arith.remsi %add3A_585, %jit3A_586 : i32
        %ne3A_604 = arith.constant 0 : i32
        %ne3A_605 = arith.cmpi ne, %rem3A_603, %ne3A_604 : i32
        %and3A_606 = arith.andi %ne3A_602, %ne3A_605 : i1
        %sub3A_607 = arith.constant 1 : i32
        %sub3A_608 = arith.subi %div3A_587, %sub3A_607 : i32
        %select_n3A_609 = arith.select %and3A_606, %sub3A_608, %div3A_587 : i32
        %rem3A_610 = arith.constant 128 : i32
        %rem3A_611 = arith.remsi %add3A_585, %rem3A_610 : i32
        %swap3A = arith.index_cast %select_n3A_609 : i32 to index
        %swap3A_612 = arith.index_cast %rem3A_611 : i32 to index
        %swap3A_613 = tpu.vector_load %arg10[%swap3A, %swap3A_612] {strides = array<i32>} : memref<16x128xi32, #tpu.memory_space<vmem>>, vector<16xi32>,
        tpu.vector_store %arg10[%swap3A, %swap3A_612], %add3A_570 {strides = array<i32>} : memref<16x128xi32, #tpu.memory_space<vmem>>, vector<16xi32>,
        %swap3A_614 = arith.index_cast %select_n3A_609 : i32 to index
        %swap3A_615 = arith.index_cast %rem3A_611 : i32 to index
        %swap3A_616 = tpu.vector_load %arg11[%swap3A_614, %swap3A_615] {strides = array<i32>} : memref<16x128xf32, #tpu.memory_space<vmem>>, vector<16xf32>,
        tpu.vector_store %arg11[%swap3A_614, %swap3A_615], %select_n3A_581 {strides = array<i32>} : memref<16x128xf32, #tpu.memory_space<vmem>>, vector<16xf32>,
        %add3A_617 = arith.constant 1 : i32
        %add3A_618 = vector.broadcast %add3A_617 : i32 to vector<16xi32>
        %add3A_619 = arith.addi %select_n3A_513, %add3A_618 : vector<16xi32>
        %add3A_620 = arith.constant 0 : i32
        %add3A_621 = vector.broadcast %add3A_620 : i32 to vector<16xi32>
        %add3A_622 = arith.addi %select_n3A_522, %add3A_621 : vector<16xi32>
        %ge3A_623 = arith.constant 0 : i32
        %ge3A_624 = vector.broadcast %ge3A_623 : i32 to vector<16xi32>
        %ge3A_625 = arith.cmpi sge, %add3A_619, %ge3A_624 : vector<16xi32>
        %sub3A_626 = arith.constant 1 : i32
        %sub3A_627 = vector.broadcast %sub3A_626 : i32 to vector<16xi32>
        %sub3A_628 = arith.subi %convert_element_type3A, %sub3A_627 : vector<16xi32>
        %le3A_629 = arith.cmpi sle, %add3A_619, %sub3A_628 : vector<16xi32>
        %and3A_630 = arith.andi %ge3A_625, %le3A_629 : vector<16xi1>
        %ge3A_631 = arith.constant 0 : i32
        %ge3A_632 = vector.broadcast %ge3A_631 : i32 to vector<16xi32>
        %ge3A_633 = arith.cmpi sge, %add3A_622, %ge3A_632 : vector<16xi32>
        %and3A_634 = arith.andi %and3A_630, %ge3A_633 : vector<16xi1>
        %sub3A_635 = arith.constant 1 : i32
        %sub3A_636 = vector.broadcast %sub3A_635 : i32 to vector<16xi32>
        %sub3A_637 = arith.subi %convert_element_type3A_14, %sub3A_636 : vector<16xi32>
        %le3A_638 = arith.cmpi sle, %add3A_622, %sub3A_637 : vector<16xi32>
        %and3A_639 = arith.andi %and3A_634, %le3A_638 : vector<16xi1>
        %sub3A_640 = arith.constant 1 : i32
        %sub3A_641 = vector.broadcast %sub3A_640 : i32 to vector<16xi32>
        %sub3A_642 = arith.subi %convert_element_type3A, %sub3A_641 : vector<16xi32>
        %jit3A_643 = arith.constant 0 : i32
        %max3A_644 = vector.broadcast %jit3A_643 : i32 to vector<16xi32>
        %max3A_645 = arith.maxsi %max3A_644, %add3A_619 : vector<16xi32>
        %min3A_646 = arith.minsi %sub3A_642, %max3A_645 : vector<16xi32>
        %sub3A_647 = arith.constant 1 : i32
        %sub3A_648 = vector.broadcast %sub3A_647 : i32 to vector<16xi32>
        %sub3A_649 = arith.subi %convert_element_type3A_14, %sub3A_648 : vector<16xi32>
        %jit3A_650 = arith.constant 0 : i32
        %max3A_651 = vector.broadcast %jit3A_650 : i32 to vector<16xi32>
        %max3A_652 = arith.maxsi %max3A_651, %add3A_622 : vector<16xi32>
        %min3A_653 = arith.minsi %sub3A_649, %max3A_652 : vector<16xi32>
        %mul3A_654 = arith.muli %min3A_653, %convert_element_type3A : vector<16xi32>
        %add3A_655 = arith.addi %mul3A_654, %min3A_646 : vector<16xi32>
        %add3A_656 = arith.addi %add3A_655, %convert_element_type3A_15 : vector<16xi32>
        %mul3A_657 = arith.constant 8 : i32
        %mul3A_658 = vector.broadcast %mul3A_657 : i32 to vector<16xi32>
        %mul3A_659 = arith.muli %add3A_656, %mul3A_658 : vector<16xi32>
        %add3A_660 = vector.broadcast %add3A_527 : i32 to vector<16xi32>
        %add3A_661 = arith.addi %mul3A_659, %add3A_660 : vector<16xi32>
        %sub3A_662 = arith.constant 1.000000e+00 : f32
        %sub3A_663 = vector.broadcast %sub3A_662 : f32 to vector<16xf32>
        %sub3A_664 = arith.subf %sub3A_663, %sub3A_524 : vector<16xf32>
        %mul3A_665 = arith.mulf %sub3A_664, %sub3A_515 : vector<16xf32>
        %mul3A_666 = arith.mulf %mul3A_665, %div3A_494 : vector<16xf32>
        %jit3A_667 = arith.constant 0.000000e+00 : f32
        %broadcast_in_dim3A_668 = vector.broadcast %jit3A_667 : f32 to vector<16xf32>
        %select_n3A_669 = arith.select %and3A_639, %mul3A_666, %broadcast_in_dim3A_668 : vector<16xi1>, vector<16xf32>
        %mul3A_670 = arith.constant 64 : i32
        %mul3A_671 = arith.muli %scan3A_357, %mul3A_670 : i32
        %add3A_672 = arith.constant 16 : i32
        %add3A_673 = arith.addi %mul3A_671, %add3A_672 : i32
        %jit3A_674 = arith.constant 128 : i32
        %div3A_675 = arith.divsi %add3A_673, %jit3A_674 : i32
        %sign3A_676 = arith.constant 0 : i32
        %sign3A_677 = arith.cmpi sgt, %add3A_673, %sign3A_676 : i32
        %sign3A_678 = arith.extui %sign3A_677 : i1 to i32
        %sign3A_679 = arith.constant 0 : i32
        %sign3A_680 = arith.cmpi slt, %add3A_673, %sign3A_679 : i32
        %sign3A_681 = arith.extui %sign3A_680 : i1 to i32
        %sign3A_682 = arith.subi %sign3A_678, %sign3A_681 : i32
        %sign3A_683 = arith.constant 0 : i32
        %sign3A_684 = arith.cmpi sgt, %jit3A_674, %sign3A_683 : i32
        %sign3A_685 = arith.extui %sign3A_684 : i1 to i32
        %sign3A_686 = arith.constant 0 : i32
        %sign3A_687 = arith.cmpi slt, %jit3A_674, %sign3A_686 : i32
        %sign3A_688 = arith.extui %sign3A_687 : i1 to i32
        %sign3A_689 = arith.subi %sign3A_685, %sign3A_688 : i32
        %ne3A_690 = arith.cmpi ne, %sign3A_682, %sign3A_689 : i32
        %rem3A_691 = arith.remsi %add3A_673, %jit3A_674 : i32
        %ne3A_692 = arith.constant 0 : i32
        %ne3A_693 = arith.cmpi ne, %rem3A_691, %ne3A_692 : i32
        %and3A_694 = arith.andi %ne3A_690, %ne3A_693 : i1
        %sub3A_695 = arith.constant 1 : i32
        %sub3A_696 = arith.subi %div3A_675, %sub3A_695 : i32
        %select_n3A_697 = arith.select %and3A_694, %sub3A_696, %div3A_675 : i32
        %rem3A_698 = arith.constant 128 : i32
        %rem3A_699 = arith.remsi %add3A_673, %rem3A_698 : i32
        %swap3A_700 = arith.index_cast %select_n3A_697 : i32 to index
        %swap3A_701 = arith.index_cast %rem3A_699 : i32 to index
        %swap3A_702 = tpu.vector_load %arg10[%swap3A_700, %swap3A_701] {strides = array<i32>} : memref<16x128xi32, #tpu.memory_space<vmem>>, vector<16xi32>,
        tpu.vector_store %arg10[%swap3A_700, %swap3A_701], %add3A_661 {strides = array<i32>} : memref<16x128xi32, #tpu.memory_space<vmem>>, vector<16xi32>,
        %swap3A_703 = arith.index_cast %select_n3A_697 : i32 to index
        %swap3A_704 = arith.index_cast %rem3A_699 : i32 to index
        %swap3A_705 = tpu.vector_load %arg11[%swap3A_703, %swap3A_704] {strides = array<i32>} : memref<16x128xf32, #tpu.memory_space<vmem>>, vector<16xf32>,
        tpu.vector_store %arg11[%swap3A_703, %swap3A_704], %select_n3A_669 {strides = array<i32>} : memref<16x128xf32, #tpu.memory_space<vmem>>, vector<16xf32>,
        %add3A_706 = arith.constant 0 : i32
        %add3A_707 = vector.broadcast %add3A_706 : i32 to vector<16xi32>
        %add3A_708 = arith.addi %select_n3A_513, %add3A_707 : vector<16xi32>
        %add3A_709 = arith.constant 1 : i32
        %add3A_710 = vector.broadcast %add3A_709 : i32 to vector<16xi32>
        %add3A_711 = arith.addi %select_n3A_522, %add3A_710 : vector<16xi32>
        %ge3A_712 = arith.constant 0 : i32
        %ge3A_713 = vector.broadcast %ge3A_712 : i32 to vector<16xi32>
        %ge3A_714 = arith.cmpi sge, %add3A_708, %ge3A_713 : vector<16xi32>
        %sub3A_715 = arith.constant 1 : i32
        %sub3A_716 = vector.broadcast %sub3A_715 : i32 to vector<16xi32>
        %sub3A_717 = arith.subi %convert_element_type3A, %sub3A_716 : vector<16xi32>
        %le3A_718 = arith.cmpi sle, %add3A_708, %sub3A_717 : vector<16xi32>
        %and3A_719 = arith.andi %ge3A_714, %le3A_718 : vector<16xi1>
        %ge3A_720 = arith.constant 0 : i32
        %ge3A_721 = vector.broadcast %ge3A_720 : i32 to vector<16xi32>
        %ge3A_722 = arith.cmpi sge, %add3A_711, %ge3A_721 : vector<16xi32>
        %and3A_723 = arith.andi %and3A_719, %ge3A_722 : vector<16xi1>
        %sub3A_724 = arith.constant 1 : i32
        %sub3A_725 = vector.broadcast %sub3A_724 : i32 to vector<16xi32>
        %sub3A_726 = arith.subi %convert_element_type3A_14, %sub3A_725 : vector<16xi32>
        %le3A_727 = arith.cmpi sle, %add3A_711, %sub3A_726 : vector<16xi32>
        %and3A_728 = arith.andi %and3A_723, %le3A_727 : vector<16xi1>
        %sub3A_729 = arith.constant 1 : i32
        %sub3A_730 = vector.broadcast %sub3A_729 : i32 to vector<16xi32>
        %sub3A_731 = arith.subi %convert_element_type3A, %sub3A_730 : vector<16xi32>
        %jit3A_732 = arith.constant 0 : i32
        %max3A_733 = vector.broadcast %jit3A_732 : i32 to vector<16xi32>
        %max3A_734 = arith.maxsi %max3A_733, %add3A_708 : vector<16xi32>
        %min3A_735 = arith.minsi %sub3A_731, %max3A_734 : vector<16xi32>
        %sub3A_736 = arith.constant 1 : i32
        %sub3A_737 = vector.broadcast %sub3A_736 : i32 to vector<16xi32>
        %sub3A_738 = arith.subi %convert_element_type3A_14, %sub3A_737 : vector<16xi32>
        %jit3A_739 = arith.constant 0 : i32
        %max3A_740 = vector.broadcast %jit3A_739 : i32 to vector<16xi32>
        %max3A_741 = arith.maxsi %max3A_740, %add3A_711 : vector<16xi32>
        %min3A_742 = arith.minsi %sub3A_738, %max3A_741 : vector<16xi32>
        %mul3A_743 = arith.muli %min3A_742, %convert_element_type3A : vector<16xi32>
        %add3A_744 = arith.addi %mul3A_743, %min3A_735 : vector<16xi32>
        %add3A_745 = arith.addi %add3A_744, %convert_element_type3A_15 : vector<16xi32>
        %mul3A_746 = arith.constant 8 : i32
        %mul3A_747 = vector.broadcast %mul3A_746 : i32 to vector<16xi32>
        %mul3A_748 = arith.muli %add3A_745, %mul3A_747 : vector<16xi32>
        %add3A_749 = vector.broadcast %add3A_527 : i32 to vector<16xi32>
        %add3A_750 = arith.addi %mul3A_748, %add3A_749 : vector<16xi32>
        %sub3A_751 = arith.constant 1.000000e+00 : f32
        %sub3A_752 = vector.broadcast %sub3A_751 : f32 to vector<16xf32>
        %sub3A_753 = arith.subf %sub3A_752, %sub3A_515 : vector<16xf32>
        %mul3A_754 = arith.mulf %sub3A_524, %sub3A_753 : vector<16xf32>
        %mul3A_755 = arith.mulf %mul3A_754, %div3A_494 : vector<16xf32>
        %jit3A_756 = arith.constant 0.000000e+00 : f32
        %broadcast_in_dim3A_757 = vector.broadcast %jit3A_756 : f32 to vector<16xf32>
        %select_n3A_758 = arith.select %and3A_728, %mul3A_755, %broadcast_in_dim3A_757 : vector<16xi1>, vector<16xf32>
        %mul3A_759 = arith.constant 64 : i32
        %mul3A_760 = arith.muli %scan3A_357, %mul3A_759 : i32
        %add3A_761 = arith.constant 32 : i32
        %add3A_762 = arith.addi %mul3A_760, %add3A_761 : i32
        %jit3A_763 = arith.constant 128 : i32
        %div3A_764 = arith.divsi %add3A_762, %jit3A_763 : i32
        %sign3A_765 = arith.constant 0 : i32
        %sign3A_766 = arith.cmpi sgt, %add3A_762, %sign3A_765 : i32
        %sign3A_767 = arith.extui %sign3A_766 : i1 to i32
        %sign3A_768 = arith.constant 0 : i32
        %sign3A_769 = arith.cmpi slt, %add3A_762, %sign3A_768 : i32
        %sign3A_770 = arith.extui %sign3A_769 : i1 to i32
        %sign3A_771 = arith.subi %sign3A_767, %sign3A_770 : i32
        %sign3A_772 = arith.constant 0 : i32
        %sign3A_773 = arith.cmpi sgt, %jit3A_763, %sign3A_772 : i32
        %sign3A_774 = arith.extui %sign3A_773 : i1 to i32
        %sign3A_775 = arith.constant 0 : i32
        %sign3A_776 = arith.cmpi slt, %jit3A_763, %sign3A_775 : i32
        %sign3A_777 = arith.extui %sign3A_776 : i1 to i32
        %sign3A_778 = arith.subi %sign3A_774, %sign3A_777 : i32
        %ne3A_779 = arith.cmpi ne, %sign3A_771, %sign3A_778 : i32
        %rem3A_780 = arith.remsi %add3A_762, %jit3A_763 : i32
        %ne3A_781 = arith.constant 0 : i32
        %ne3A_782 = arith.cmpi ne, %rem3A_780, %ne3A_781 : i32
        %and3A_783 = arith.andi %ne3A_779, %ne3A_782 : i1
        %sub3A_784 = arith.constant 1 : i32
        %sub3A_785 = arith.subi %div3A_764, %sub3A_784 : i32
        %select_n3A_786 = arith.select %and3A_783, %sub3A_785, %div3A_764 : i32
        %rem3A_787 = arith.constant 128 : i32
        %rem3A_788 = arith.remsi %add3A_762, %rem3A_787 : i32
        %swap3A_789 = arith.index_cast %select_n3A_786 : i32 to index
        %swap3A_790 = arith.index_cast %rem3A_788 : i32 to index
        %swap3A_791 = tpu.vector_load %arg10[%swap3A_789, %swap3A_790] {strides = array<i32>} : memref<16x128xi32, #tpu.memory_space<vmem>>, vector<16xi32>,
        tpu.vector_store %arg10[%swap3A_789, %swap3A_790], %add3A_750 {strides = array<i32>} : memref<16x128xi32, #tpu.memory_space<vmem>>, vector<16xi32>,
        %swap3A_792 = arith.index_cast %select_n3A_786 : i32 to index
        %swap3A_793 = arith.index_cast %rem3A_788 : i32 to index
        %swap3A_794 = tpu.vector_load %arg11[%swap3A_792, %swap3A_793] {strides = array<i32>} : memref<16x128xf32, #tpu.memory_space<vmem>>, vector<16xf32>,
        tpu.vector_store %arg11[%swap3A_792, %swap3A_793], %select_n3A_758 {strides = array<i32>} : memref<16x128xf32, #tpu.memory_space<vmem>>, vector<16xf32>,
        %add3A_795 = arith.constant 1 : i32
        %add3A_796 = vector.broadcast %add3A_795 : i32 to vector<16xi32>
        %add3A_797 = arith.addi %select_n3A_513, %add3A_796 : vector<16xi32>
        %add3A_798 = arith.constant 1 : i32
        %add3A_799 = vector.broadcast %add3A_798 : i32 to vector<16xi32>
        %add3A_800 = arith.addi %select_n3A_522, %add3A_799 : vector<16xi32>
        %ge3A_801 = arith.constant 0 : i32
        %ge3A_802 = vector.broadcast %ge3A_801 : i32 to vector<16xi32>
        %ge3A_803 = arith.cmpi sge, %add3A_797, %ge3A_802 : vector<16xi32>
        %sub3A_804 = arith.constant 1 : i32
        %sub3A_805 = vector.broadcast %sub3A_804 : i32 to vector<16xi32>
        %sub3A_806 = arith.subi %convert_element_type3A, %sub3A_805 : vector<16xi32>
        %le3A_807 = arith.cmpi sle, %add3A_797, %sub3A_806 : vector<16xi32>
        %and3A_808 = arith.andi %ge3A_803, %le3A_807 : vector<16xi1>
        %ge3A_809 = arith.constant 0 : i32
        %ge3A_810 = vector.broadcast %ge3A_809 : i32 to vector<16xi32>
        %ge3A_811 = arith.cmpi sge, %add3A_800, %ge3A_810 : vector<16xi32>
        %and3A_812 = arith.andi %and3A_808, %ge3A_811 : vector<16xi1>
        %sub3A_813 = arith.constant 1 : i32
        %sub3A_814 = vector.broadcast %sub3A_813 : i32 to vector<16xi32>
        %sub3A_815 = arith.subi %convert_element_type3A_14, %sub3A_814 : vector<16xi32>
        %le3A_816 = arith.cmpi sle, %add3A_800, %sub3A_815 : vector<16xi32>
        %and3A_817 = arith.andi %and3A_812, %le3A_816 : vector<16xi1>
        %sub3A_818 = arith.constant 1 : i32
        %sub3A_819 = vector.broadcast %sub3A_818 : i32 to vector<16xi32>
        %sub3A_820 = arith.subi %convert_element_type3A, %sub3A_819 : vector<16xi32>
        %jit3A_821 = arith.constant 0 : i32
        %max3A_822 = vector.broadcast %jit3A_821 : i32 to vector<16xi32>
        %max3A_823 = arith.maxsi %max3A_822, %add3A_797 : vector<16xi32>
        %min3A_824 = arith.minsi %sub3A_820, %max3A_823 : vector<16xi32>
        %sub3A_825 = arith.constant 1 : i32
        %sub3A_826 = vector.broadcast %sub3A_825 : i32 to vector<16xi32>
        %sub3A_827 = arith.subi %convert_element_type3A_14, %sub3A_826 : vector<16xi32>
        %jit3A_828 = arith.constant 0 : i32
        %max3A_829 = vector.broadcast %jit3A_828 : i32 to vector<16xi32>
        %max3A_830 = arith.maxsi %max3A_829, %add3A_800 : vector<16xi32>
        %min3A_831 = arith.minsi %sub3A_827, %max3A_830 : vector<16xi32>
        %mul3A_832 = arith.muli %min3A_831, %convert_element_type3A : vector<16xi32>
        %add3A_833 = arith.addi %mul3A_832, %min3A_824 : vector<16xi32>
        %add3A_834 = arith.addi %add3A_833, %convert_element_type3A_15 : vector<16xi32>
        %mul3A_835 = arith.constant 8 : i32
        %mul3A_836 = vector.broadcast %mul3A_835 : i32 to vector<16xi32>
        %mul3A_837 = arith.muli %add3A_834, %mul3A_836 : vector<16xi32>
        %add3A_838 = vector.broadcast %add3A_527 : i32 to vector<16xi32>
        %add3A_839 = arith.addi %mul3A_837, %add3A_838 : vector<16xi32>
        %mul3A_840 = arith.mulf %sub3A_524, %sub3A_515 : vector<16xf32>
        %mul3A_841 = arith.mulf %mul3A_840, %div3A_494 : vector<16xf32>
        %jit3A_842 = arith.constant 0.000000e+00 : f32
        %broadcast_in_dim3A_843 = vector.broadcast %jit3A_842 : f32 to vector<16xf32>
        %select_n3A_844 = arith.select %and3A_817, %mul3A_841, %broadcast_in_dim3A_843 : vector<16xi1>, vector<16xf32>
        %mul3A_845 = arith.constant 64 : i32
        %mul3A_846 = arith.muli %scan3A_357, %mul3A_845 : i32
        %add3A_847 = arith.constant 48 : i32
        %add3A_848 = arith.addi %mul3A_846, %add3A_847 : i32
        %jit3A_849 = arith.constant 128 : i32
        %div3A_850 = arith.divsi %add3A_848, %jit3A_849 : i32
        %sign3A_851 = arith.constant 0 : i32
        %sign3A_852 = arith.cmpi sgt, %add3A_848, %sign3A_851 : i32
        %sign3A_853 = arith.extui %sign3A_852 : i1 to i32
        %sign3A_854 = arith.constant 0 : i32
        %sign3A_855 = arith.cmpi slt, %add3A_848, %sign3A_854 : i32
        %sign3A_856 = arith.extui %sign3A_855 : i1 to i32
        %sign3A_857 = arith.subi %sign3A_853, %sign3A_856 : i32
        %sign3A_858 = arith.constant 0 : i32
        %sign3A_859 = arith.cmpi sgt, %jit3A_849, %sign3A_858 : i32
        %sign3A_860 = arith.extui %sign3A_859 : i1 to i32
        %sign3A_861 = arith.constant 0 : i32
        %sign3A_862 = arith.cmpi slt, %jit3A_849, %sign3A_861 : i32
        %sign3A_863 = arith.extui %sign3A_862 : i1 to i32
        %sign3A_864 = arith.subi %sign3A_860, %sign3A_863 : i32
        %ne3A_865 = arith.cmpi ne, %sign3A_857, %sign3A_864 : i32
        %rem3A_866 = arith.remsi %add3A_848, %jit3A_849 : i32
        %ne3A_867 = arith.constant 0 : i32
        %ne3A_868 = arith.cmpi ne, %rem3A_866, %ne3A_867 : i32
        %and3A_869 = arith.andi %ne3A_865, %ne3A_868 : i1
        %sub3A_870 = arith.constant 1 : i32
        %sub3A_871 = arith.subi %div3A_850, %sub3A_870 : i32
        %select_n3A_872 = arith.select %and3A_869, %sub3A_871, %div3A_850 : i32
        %rem3A_873 = arith.constant 128 : i32
        %rem3A_874 = arith.remsi %add3A_848, %rem3A_873 : i32
        %swap3A_875 = arith.index_cast %select_n3A_872 : i32 to index
        %swap3A_876 = arith.index_cast %rem3A_874 : i32 to index
        %swap3A_877 = tpu.vector_load %arg10[%swap3A_875, %swap3A_876] {strides = array<i32>} : memref<16x128xi32, #tpu.memory_space<vmem>>, vector<16xi32>,
        tpu.vector_store %arg10[%swap3A_875, %swap3A_876], %add3A_839 {strides = array<i32>} : memref<16x128xi32, #tpu.memory_space<vmem>>, vector<16xi32>,
        %swap3A_878 = arith.index_cast %select_n3A_872 : i32 to index
        %swap3A_879 = arith.index_cast %rem3A_874 : i32 to index
        %swap3A_880 = tpu.vector_load %arg11[%swap3A_878, %swap3A_879] {strides = array<i32>} : memref<16x128xf32, #tpu.memory_space<vmem>>, vector<16xf32>,
        tpu.vector_store %arg11[%swap3A_878, %swap3A_879], %select_n3A_844 {strides = array<i32>} : memref<16x128xf32, #tpu.memory_space<vmem>>, vector<16xf32>,
      }
      %scan3A_32 = arith.constant 32 : i32
      %dma_start3A = arith.constant 0 : i32
      %dma_start3A_33 = arith.constant 0 : i32
      %dma_start3A_34 = arith.constant 0 : i32
      %dma_start3A_35 = tpu.memref_slice %arg12[%dma_start3A_33, %dma_start3A_34] : memref<2048x32xf32, #tpu.memory_space<vmem>> -> memref<128x32xf32, #tpu.memory_space<vmem>>
      %dma_start3A_36 = arith.constant 0 : i32
      %dma_start3A_37 = tpu.memref_slice %arg10[%dma_start3A, %dma_start3A_36] : memref<16x128xi32, #tpu.memory_space<vmem>> -> memref<1x128xi32, #tpu.memory_space<vmem>>
      %dma_start3A_38 = tpu.memref_squeeze %dma_start3A_37 : memref<1x128xi32, #tpu.memory_space<vmem>> -> memref<128xi32, #tpu.memory_space<vmem>>
      %dma_start3A_39 = arith.constant 0 : i32
      %dma_start3A_40 = arith.constant 0 : i32
      %dma_start3A_41 = tpu.memref_slice %arg3[%dma_start3A_39, %dma_start3A_40] : memref<122896x32xf32, #tpu.memory_space<hbm>> -> memref<122896x32xf32, #tpu.memory_space<hbm>>
      tpu.enqueue_indirect_dma source(%dma_start3A_41 : memref<122896x32xf32, #tpu.memory_space<hbm>>) target(%dma_start3A_35 : memref<128x32xf32, #tpu.memory_space<vmem>>) offsets(%dma_start3A_38 : memref<128xi32, #tpu.memory_space<vmem>>) semaphore(%arg14 : memref<!tpu.dma_semaphore, #tpu.memory_space<semaphore_mem>>)
      %dma_start3A_42 = arith.constant 1 : i32
      %dma_start3A_43 = arith.constant 128 : i32
      %dma_start3A_44 = arith.constant 0 : i32
      %dma_start3A_45 = tpu.memref_slice %arg12[%dma_start3A_43, %dma_start3A_44] : memref<2048x32xf32, #tpu.memory_space<vmem>> -> memref<128x32xf32, #tpu.memory_space<vmem>>
      %dma_start3A_46 = arith.constant 0 : i32
      %dma_start3A_47 = tpu.memref_slice %arg10[%dma_start3A_42, %dma_start3A_46] : memref<16x128xi32, #tpu.memory_space<vmem>> -> memref<1x128xi32, #tpu.memory_space<vmem>>
      %dma_start3A_48 = tpu.memref_squeeze %dma_start3A_47 : memref<1x128xi32, #tpu.memory_space<vmem>> -> memref<128xi32, #tpu.memory_space<vmem>>
      %dma_start3A_49 = arith.constant 0 : i32
      %dma_start3A_50 = arith.constant 0 : i32
      %dma_start3A_51 = tpu.memref_slice %arg3[%dma_start3A_49, %dma_start3A_50] : memref<122896x32xf32, #tpu.memory_space<hbm>> -> memref<122896x32xf32, #tpu.memory_space<hbm>>
      tpu.enqueue_indirect_dma source(%dma_start3A_51 : memref<122896x32xf32, #tpu.memory_space<hbm>>) target(%dma_start3A_45 : memref<128x32xf32, #tpu.memory_space<vmem>>) offsets(%dma_start3A_48 : memref<128xi32, #tpu.memory_space<vmem>>) semaphore(%arg14 : memref<!tpu.dma_semaphore, #tpu.memory_space<semaphore_mem>>)
      %dma_start3A_52 = arith.constant 2 : i32
      %dma_start3A_53 = arith.constant 256 : i32
      %dma_start3A_54 = arith.constant 0 : i32
      %dma_start3A_55 = tpu.memref_slice %arg12[%dma_start3A_53, %dma_start3A_54] : memref<2048x32xf32, #tpu.memory_space<vmem>> -> memref<128x32xf32, #tpu.memory_space<vmem>>
      %dma_start3A_56 = arith.constant 0 : i32
      %dma_start3A_57 = tpu.memref_slice %arg10[%dma_start3A_52, %dma_start3A_56] : memref<16x128xi32, #tpu.memory_space<vmem>> -> memref<1x128xi32, #tpu.memory_space<vmem>>
      %dma_start3A_58 = tpu.memref_squeeze %dma_start3A_57 : memref<1x128xi32, #tpu.memory_space<vmem>> -> memref<128xi32, #tpu.memory_space<vmem>>
      %dma_start3A_59 = arith.constant 0 : i32
      %dma_start3A_60 = arith.constant 0 : i32
      %dma_start3A_61 = tpu.memref_slice %arg3[%dma_start3A_59, %dma_start3A_60] : memref<122896x32xf32, #tpu.memory_space<hbm>> -> memref<122896x32xf32, #tpu.memory_space<hbm>>
      tpu.enqueue_indirect_dma source(%dma_start3A_61 : memref<122896x32xf32, #tpu.memory_space<hbm>>) target(%dma_start3A_55 : memref<128x32xf32, #tpu.memory_space<vmem>>) offsets(%dma_start3A_58 : memref<128xi32, #tpu.memory_space<vmem>>) semaphore(%arg14 : memref<!tpu.dma_semaphore, #tpu.memory_space<semaphore_mem>>)
      %dma_start3A_62 = arith.constant 3 : i32
      %dma_start3A_63 = arith.constant 384 : i32
      %dma_start3A_64 = arith.constant 0 : i32
      %dma_start3A_65 = tpu.memref_slice %arg12[%dma_start3A_63, %dma_start3A_64] : memref<2048x32xf32, #tpu.memory_space<vmem>> -> memref<128x32xf32, #tpu.memory_space<vmem>>
      %dma_start3A_66 = arith.constant 0 : i32
      %dma_start3A_67 = tpu.memref_slice %arg10[%dma_start3A_62, %dma_start3A_66] : memref<16x128xi32, #tpu.memory_space<vmem>> -> memref<1x128xi32, #tpu.memory_space<vmem>>
      %dma_start3A_68 = tpu.memref_squeeze %dma_start3A_67 : memref<1x128xi32, #tpu.memory_space<vmem>> -> memref<128xi32, #tpu.memory_space<vmem>>
      %dma_start3A_69 = arith.constant 0 : i32
      %dma_start3A_70 = arith.constant 0 : i32
      %dma_start3A_71 = tpu.memref_slice %arg3[%dma_start3A_69, %dma_start3A_70] : memref<122896x32xf32, #tpu.memory_space<hbm>> -> memref<122896x32xf32, #tpu.memory_space<hbm>>
      tpu.enqueue_indirect_dma source(%dma_start3A_71 : memref<122896x32xf32, #tpu.memory_space<hbm>>) target(%dma_start3A_65 : memref<128x32xf32, #tpu.memory_space<vmem>>) offsets(%dma_start3A_68 : memref<128xi32, #tpu.memory_space<vmem>>) semaphore(%arg14 : memref<!tpu.dma_semaphore, #tpu.memory_space<semaphore_mem>>)
      %dma_start3A_72 = arith.constant 4 : i32
      %dma_start3A_73 = arith.constant 512 : i32
      %dma_start3A_74 = arith.constant 0 : i32
      %dma_start3A_75 = tpu.memref_slice %arg12[%dma_start3A_73, %dma_start3A_74] : memref<2048x32xf32, #tpu.memory_space<vmem>> -> memref<128x32xf32, #tpu.memory_space<vmem>>
      %dma_start3A_76 = arith.constant 0 : i32
      %dma_start3A_77 = tpu.memref_slice %arg10[%dma_start3A_72, %dma_start3A_76] : memref<16x128xi32, #tpu.memory_space<vmem>> -> memref<1x128xi32, #tpu.memory_space<vmem>>
      %dma_start3A_78 = tpu.memref_squeeze %dma_start3A_77 : memref<1x128xi32, #tpu.memory_space<vmem>> -> memref<128xi32, #tpu.memory_space<vmem>>
      %dma_start3A_79 = arith.constant 0 : i32
      %dma_start3A_80 = arith.constant 0 : i32
      %dma_start3A_81 = tpu.memref_slice %arg3[%dma_start3A_79, %dma_start3A_80] : memref<122896x32xf32, #tpu.memory_space<hbm>> -> memref<122896x32xf32, #tpu.memory_space<hbm>>
      tpu.enqueue_indirect_dma source(%dma_start3A_81 : memref<122896x32xf32, #tpu.memory_space<hbm>>) target(%dma_start3A_75 : memref<128x32xf32, #tpu.memory_space<vmem>>) offsets(%dma_start3A_78 : memref<128xi32, #tpu.memory_space<vmem>>) semaphore(%arg14 : memref<!tpu.dma_semaphore, #tpu.memory_space<semaphore_mem>>)
      %dma_start3A_82 = arith.constant 5 : i32
      %dma_start3A_83 = arith.constant 640 : i32
      %dma_start3A_84 = arith.constant 0 : i32
      %dma_start3A_85 = tpu.memref_slice %arg12[%dma_start3A_83, %dma_start3A_84] : memref<2048x32xf32, #tpu.memory_space<vmem>> -> memref<128x32xf32, #tpu.memory_space<vmem>>
      %dma_start3A_86 = arith.constant 0 : i32
      %dma_start3A_87 = tpu.memref_slice %arg10[%dma_start3A_82, %dma_start3A_86] : memref<16x128xi32, #tpu.memory_space<vmem>> -> memref<1x128xi32, #tpu.memory_space<vmem>>
      %dma_start3A_88 = tpu.memref_squeeze %dma_start3A_87 : memref<1x128xi32, #tpu.memory_space<vmem>> -> memref<128xi32, #tpu.memory_space<vmem>>
      %dma_start3A_89 = arith.constant 0 : i32
      %dma_start3A_90 = arith.constant 0 : i32
      %dma_start3A_91 = tpu.memref_slice %arg3[%dma_start3A_89, %dma_start3A_90] : memref<122896x32xf32, #tpu.memory_space<hbm>> -> memref<122896x32xf32, #tpu.memory_space<hbm>>
      tpu.enqueue_indirect_dma source(%dma_start3A_91 : memref<122896x32xf32, #tpu.memory_space<hbm>>) target(%dma_start3A_85 : memref<128x32xf32, #tpu.memory_space<vmem>>) offsets(%dma_start3A_88 : memref<128xi32, #tpu.memory_space<vmem>>) semaphore(%arg14 : memref<!tpu.dma_semaphore, #tpu.memory_space<semaphore_mem>>)
      %dma_start3A_92 = arith.constant 6 : i32
      %dma_start3A_93 = arith.constant 768 : i32
      %dma_start3A_94 = arith.constant 0 : i32
      %dma_start3A_95 = tpu.memref_slice %arg12[%dma_start3A_93, %dma_start3A_94] : memref<2048x32xf32, #tpu.memory_space<vmem>> -> memref<128x32xf32, #tpu.memory_space<vmem>>
      %dma_start3A_96 = arith.constant 0 : i32
      %dma_start3A_97 = tpu.memref_slice %arg10[%dma_start3A_92, %dma_start3A_96] : memref<16x128xi32, #tpu.memory_space<vmem>> -> memref<1x128xi32, #tpu.memory_space<vmem>>
      %dma_start3A_98 = tpu.memref_squeeze %dma_start3A_97 : memref<1x128xi32, #tpu.memory_space<vmem>> -> memref<128xi32, #tpu.memory_space<vmem>>
      %dma_start3A_99 = arith.constant 0 : i32
      %dma_start3A_100 = arith.constant 0 : i32
      %dma_start3A_101 = tpu.memref_slice %arg3[%dma_start3A_99, %dma_start3A_100] : memref<122896x32xf32, #tpu.memory_space<hbm>> -> memref<122896x32xf32, #tpu.memory_space<hbm>>
      tpu.enqueue_indirect_dma source(%dma_start3A_101 : memref<122896x32xf32, #tpu.memory_space<hbm>>) target(%dma_start3A_95 : memref<128x32xf32, #tpu.memory_space<vmem>>) offsets(%dma_start3A_98 : memref<128xi32, #tpu.memory_space<vmem>>) semaphore(%arg14 : memref<!tpu.dma_semaphore, #tpu.memory_space<semaphore_mem>>)
      %dma_start3A_102 = arith.constant 7 : i32
      %dma_start3A_103 = arith.constant 896 : i32
      %dma_start3A_104 = arith.constant 0 : i32
      %dma_start3A_105 = tpu.memref_slice %arg12[%dma_start3A_103, %dma_start3A_104] : memref<2048x32xf32, #tpu.memory_space<vmem>> -> memref<128x32xf32, #tpu.memory_space<vmem>>
      %dma_start3A_106 = arith.constant 0 : i32
      %dma_start3A_107 = tpu.memref_slice %arg10[%dma_start3A_102, %dma_start3A_106] : memref<16x128xi32, #tpu.memory_space<vmem>> -> memref<1x128xi32, #tpu.memory_space<vmem>>
      %dma_start3A_108 = tpu.memref_squeeze %dma_start3A_107 : memref<1x128xi32, #tpu.memory_space<vmem>> -> memref<128xi32, #tpu.memory_space<vmem>>
      %dma_start3A_109 = arith.constant 0 : i32
      %dma_start3A_110 = arith.constant 0 : i32
      %dma_start3A_111 = tpu.memref_slice %arg3[%dma_start3A_109, %dma_start3A_110] : memref<122896x32xf32, #tpu.memory_space<hbm>> -> memref<122896x32xf32, #tpu.memory_space<hbm>>
      tpu.enqueue_indirect_dma source(%dma_start3A_111 : memref<122896x32xf32, #tpu.memory_space<hbm>>) target(%dma_start3A_105 : memref<128x32xf32, #tpu.memory_space<vmem>>) offsets(%dma_start3A_108 : memref<128xi32, #tpu.memory_space<vmem>>) semaphore(%arg14 : memref<!tpu.dma_semaphore, #tpu.memory_space<semaphore_mem>>)
      %dma_start3A_112 = arith.constant 8 : i32
      %dma_start3A_113 = arith.constant 1024 : i32
      %dma_start3A_114 = arith.constant 0 : i32
      %dma_start3A_115 = tpu.memref_slice %arg12[%dma_start3A_113, %dma_start3A_114] : memref<2048x32xf32, #tpu.memory_space<vmem>> -> memref<128x32xf32, #tpu.memory_space<vmem>>
      %dma_start3A_116 = arith.constant 0 : i32
      %dma_start3A_117 = tpu.memref_slice %arg10[%dma_start3A_112, %dma_start3A_116] : memref<16x128xi32, #tpu.memory_space<vmem>> -> memref<1x128xi32, #tpu.memory_space<vmem>>
      %dma_start3A_118 = tpu.memref_squeeze %dma_start3A_117 : memref<1x128xi32, #tpu.memory_space<vmem>> -> memref<128xi32, #tpu.memory_space<vmem>>
      %dma_start3A_119 = arith.constant 0 : i32
      %dma_start3A_120 = arith.constant 0 : i32
      %dma_start3A_121 = tpu.memref_slice %arg3[%dma_start3A_119, %dma_start3A_120] : memref<122896x32xf32, #tpu.memory_space<hbm>> -> memref<122896x32xf32, #tpu.memory_space<hbm>>
      tpu.enqueue_indirect_dma source(%dma_start3A_121 : memref<122896x32xf32, #tpu.memory_space<hbm>>) target(%dma_start3A_115 : memref<128x32xf32, #tpu.memory_space<vmem>>) offsets(%dma_start3A_118 : memref<128xi32, #tpu.memory_space<vmem>>) semaphore(%arg14 : memref<!tpu.dma_semaphore, #tpu.memory_space<semaphore_mem>>)
      %dma_start3A_122 = arith.constant 9 : i32
      %dma_start3A_123 = arith.constant 1152 : i32
      %dma_start3A_124 = arith.constant 0 : i32
      %dma_start3A_125 = tpu.memref_slice %arg12[%dma_start3A_123, %dma_start3A_124] : memref<2048x32xf32, #tpu.memory_space<vmem>> -> memref<128x32xf32, #tpu.memory_space<vmem>>
      %dma_start3A_126 = arith.constant 0 : i32
      %dma_start3A_127 = tpu.memref_slice %arg10[%dma_start3A_122, %dma_start3A_126] : memref<16x128xi32, #tpu.memory_space<vmem>> -> memref<1x128xi32, #tpu.memory_space<vmem>>
      %dma_start3A_128 = tpu.memref_squeeze %dma_start3A_127 : memref<1x128xi32, #tpu.memory_space<vmem>> -> memref<128xi32, #tpu.memory_space<vmem>>
      %dma_start3A_129 = arith.constant 0 : i32
      %dma_start3A_130 = arith.constant 0 : i32
      %dma_start3A_131 = tpu.memref_slice %arg3[%dma_start3A_129, %dma_start3A_130] : memref<122896x32xf32, #tpu.memory_space<hbm>> -> memref<122896x32xf32, #tpu.memory_space<hbm>>
      tpu.enqueue_indirect_dma source(%dma_start3A_131 : memref<122896x32xf32, #tpu.memory_space<hbm>>) target(%dma_start3A_125 : memref<128x32xf32, #tpu.memory_space<vmem>>) offsets(%dma_start3A_128 : memref<128xi32, #tpu.memory_space<vmem>>) semaphore(%arg14 : memref<!tpu.dma_semaphore, #tpu.memory_space<semaphore_mem>>)
      %dma_start3A_132 = arith.constant 10 : i32
      %dma_start3A_133 = arith.constant 1280 : i32
      %dma_start3A_134 = arith.constant 0 : i32
      %dma_start3A_135 = tpu.memref_slice %arg12[%dma_start3A_133, %dma_start3A_134] : memref<2048x32xf32, #tpu.memory_space<vmem>> -> memref<128x32xf32, #tpu.memory_space<vmem>>
      %dma_start3A_136 = arith.constant 0 : i32
      %dma_start3A_137 = tpu.memref_slice %arg10[%dma_start3A_132, %dma_start3A_136] : memref<16x128xi32, #tpu.memory_space<vmem>> -> memref<1x128xi32, #tpu.memory_space<vmem>>
      %dma_start3A_138 = tpu.memref_squeeze %dma_start3A_137 : memref<1x128xi32, #tpu.memory_space<vmem>> -> memref<128xi32, #tpu.memory_space<vmem>>
      %dma_start3A_139 = arith.constant 0 : i32
      %dma_start3A_140 = arith.constant 0 : i32
      %dma_start3A_141 = tpu.memref_slice %arg3[%dma_start3A_139, %dma_start3A_140] : memref<122896x32xf32, #tpu.memory_space<hbm>> -> memref<122896x32xf32, #tpu.memory_space<hbm>>
      tpu.enqueue_indirect_dma source(%dma_start3A_141 : memref<122896x32xf32, #tpu.memory_space<hbm>>) target(%dma_start3A_135 : memref<128x32xf32, #tpu.memory_space<vmem>>) offsets(%dma_start3A_138 : memref<128xi32, #tpu.memory_space<vmem>>) semaphore(%arg14 : memref<!tpu.dma_semaphore, #tpu.memory_space<semaphore_mem>>)
      %dma_start3A_142 = arith.constant 11 : i32
      %dma_start3A_143 = arith.constant 1408 : i32
      %dma_start3A_144 = arith.constant 0 : i32
      %dma_start3A_145 = tpu.memref_slice %arg12[%dma_start3A_143, %dma_start3A_144] : memref<2048x32xf32, #tpu.memory_space<vmem>> -> memref<128x32xf32, #tpu.memory_space<vmem>>
      %dma_start3A_146 = arith.constant 0 : i32
      %dma_start3A_147 = tpu.memref_slice %arg10[%dma_start3A_142, %dma_start3A_146] : memref<16x128xi32, #tpu.memory_space<vmem>> -> memref<1x128xi32, #tpu.memory_space<vmem>>
      %dma_start3A_148 = tpu.memref_squeeze %dma_start3A_147 : memref<1x128xi32, #tpu.memory_space<vmem>> -> memref<128xi32, #tpu.memory_space<vmem>>
      %dma_start3A_149 = arith.constant 0 : i32
      %dma_start3A_150 = arith.constant 0 : i32
      %dma_start3A_151 = tpu.memref_slice %arg3[%dma_start3A_149, %dma_start3A_150] : memref<122896x32xf32, #tpu.memory_space<hbm>> -> memref<122896x32xf32, #tpu.memory_space<hbm>>
      tpu.enqueue_indirect_dma source(%dma_start3A_151 : memref<122896x32xf32, #tpu.memory_space<hbm>>) target(%dma_start3A_145 : memref<128x32xf32, #tpu.memory_space<vmem>>) offsets(%dma_start3A_148 : memref<128xi32, #tpu.memory_space<vmem>>) semaphore(%arg14 : memref<!tpu.dma_semaphore, #tpu.memory_space<semaphore_mem>>)
      %dma_start3A_152 = arith.constant 12 : i32
      %dma_start3A_153 = arith.constant 1536 : i32
      %dma_start3A_154 = arith.constant 0 : i32
      %dma_start3A_155 = tpu.memref_slice %arg12[%dma_start3A_153, %dma_start3A_154] : memref<2048x32xf32, #tpu.memory_space<vmem>> -> memref<128x32xf32, #tpu.memory_space<vmem>>
      %dma_start3A_156 = arith.constant 0 : i32
      %dma_start3A_157 = tpu.memref_slice %arg10[%dma_start3A_152, %dma_start3A_156] : memref<16x128xi32, #tpu.memory_space<vmem>> -> memref<1x128xi32, #tpu.memory_space<vmem>>
      %dma_start3A_158 = tpu.memref_squeeze %dma_start3A_157 : memref<1x128xi32, #tpu.memory_space<vmem>> -> memref<128xi32, #tpu.memory_space<vmem>>
      %dma_start3A_159 = arith.constant 0 : i32
      %dma_start3A_160 = arith.constant 0 : i32
      %dma_start3A_161 = tpu.memref_slice %arg3[%dma_start3A_159, %dma_start3A_160] : memref<122896x32xf32, #tpu.memory_space<hbm>> -> memref<122896x32xf32, #tpu.memory_space<hbm>>
      tpu.enqueue_indirect_dma source(%dma_start3A_161 : memref<122896x32xf32, #tpu.memory_space<hbm>>) target(%dma_start3A_155 : memref<128x32xf32, #tpu.memory_space<vmem>>) offsets(%dma_start3A_158 : memref<128xi32, #tpu.memory_space<vmem>>) semaphore(%arg14 : memref<!tpu.dma_semaphore, #tpu.memory_space<semaphore_mem>>)
      %dma_start3A_162 = arith.constant 13 : i32
      %dma_start3A_163 = arith.constant 1664 : i32
      %dma_start3A_164 = arith.constant 0 : i32
      %dma_start3A_165 = tpu.memref_slice %arg12[%dma_start3A_163, %dma_start3A_164] : memref<2048x32xf32, #tpu.memory_space<vmem>> -> memref<128x32xf32, #tpu.memory_space<vmem>>
      %dma_start3A_166 = arith.constant 0 : i32
      %dma_start3A_167 = tpu.memref_slice %arg10[%dma_start3A_162, %dma_start3A_166] : memref<16x128xi32, #tpu.memory_space<vmem>> -> memref<1x128xi32, #tpu.memory_space<vmem>>
      %dma_start3A_168 = tpu.memref_squeeze %dma_start3A_167 : memref<1x128xi32, #tpu.memory_space<vmem>> -> memref<128xi32, #tpu.memory_space<vmem>>
      %dma_start3A_169 = arith.constant 0 : i32
      %dma_start3A_170 = arith.constant 0 : i32
      %dma_start3A_171 = tpu.memref_slice %arg3[%dma_start3A_169, %dma_start3A_170] : memref<122896x32xf32, #tpu.memory_space<hbm>> -> memref<122896x32xf32, #tpu.memory_space<hbm>>
      tpu.enqueue_indirect_dma source(%dma_start3A_171 : memref<122896x32xf32, #tpu.memory_space<hbm>>) target(%dma_start3A_165 : memref<128x32xf32, #tpu.memory_space<vmem>>) offsets(%dma_start3A_168 : memref<128xi32, #tpu.memory_space<vmem>>) semaphore(%arg14 : memref<!tpu.dma_semaphore, #tpu.memory_space<semaphore_mem>>)
      %dma_start3A_172 = arith.constant 14 : i32
      %dma_start3A_173 = arith.constant 1792 : i32
      %dma_start3A_174 = arith.constant 0 : i32
      %dma_start3A_175 = tpu.memref_slice %arg12[%dma_start3A_173, %dma_start3A_174] : memref<2048x32xf32, #tpu.memory_space<vmem>> -> memref<128x32xf32, #tpu.memory_space<vmem>>
      %dma_start3A_176 = arith.constant 0 : i32
      %dma_start3A_177 = tpu.memref_slice %arg10[%dma_start3A_172, %dma_start3A_176] : memref<16x128xi32, #tpu.memory_space<vmem>> -> memref<1x128xi32, #tpu.memory_space<vmem>>
      %dma_start3A_178 = tpu.memref_squeeze %dma_start3A_177 : memref<1x128xi32, #tpu.memory_space<vmem>> -> memref<128xi32, #tpu.memory_space<vmem>>
      %dma_start3A_179 = arith.constant 0 : i32
      %dma_start3A_180 = arith.constant 0 : i32
      %dma_start3A_181 = tpu.memref_slice %arg3[%dma_start3A_179, %dma_start3A_180] : memref<122896x32xf32, #tpu.memory_space<hbm>> -> memref<122896x32xf32, #tpu.memory_space<hbm>>
      tpu.enqueue_indirect_dma source(%dma_start3A_181 : memref<122896x32xf32, #tpu.memory_space<hbm>>) target(%dma_start3A_175 : memref<128x32xf32, #tpu.memory_space<vmem>>) offsets(%dma_start3A_178 : memref<128xi32, #tpu.memory_space<vmem>>) semaphore(%arg14 : memref<!tpu.dma_semaphore, #tpu.memory_space<semaphore_mem>>)
      %dma_start3A_182 = arith.constant 15 : i32
      %dma_start3A_183 = arith.constant 1920 : i32
      %dma_start3A_184 = arith.constant 0 : i32
      %dma_start3A_185 = tpu.memref_slice %arg12[%dma_start3A_183, %dma_start3A_184] : memref<2048x32xf32, #tpu.memory_space<vmem>> -> memref<128x32xf32, #tpu.memory_space<vmem>>
      %dma_start3A_186 = arith.constant 0 : i32
      %dma_start3A_187 = tpu.memref_slice %arg10[%dma_start3A_182, %dma_start3A_186] : memref<16x128xi32, #tpu.memory_space<vmem>> -> memref<1x128xi32, #tpu.memory_space<vmem>>
      %dma_start3A_188 = tpu.memref_squeeze %dma_start3A_187 : memref<1x128xi32, #tpu.memory_space<vmem>> -> memref<128xi32, #tpu.memory_space<vmem>>
      %dma_start3A_189 = arith.constant 0 : i32
      %dma_start3A_190 = arith.constant 0 : i32
      %dma_start3A_191 = tpu.memref_slice %arg3[%dma_start3A_189, %dma_start3A_190] : memref<122896x32xf32, #tpu.memory_space<hbm>> -> memref<122896x32xf32, #tpu.memory_space<hbm>>
      tpu.enqueue_indirect_dma source(%dma_start3A_191 : memref<122896x32xf32, #tpu.memory_space<hbm>>) target(%dma_start3A_185 : memref<128x32xf32, #tpu.memory_space<vmem>>) offsets(%dma_start3A_188 : memref<128xi32, #tpu.memory_space<vmem>>) semaphore(%arg14 : memref<!tpu.dma_semaphore, #tpu.memory_space<semaphore_mem>>)
      %dma_wait3A = arith.constant 0 : i32
      %dma_wait3A_192 = arith.constant 0 : i32
      %dma_wait3A_193 = arith.constant 0 : i32
      %dma_wait3A_194 = tpu.memref_slice %arg12[%dma_wait3A_192, %dma_wait3A_193] : memref<2048x32xf32, #tpu.memory_space<vmem>> -> memref<128x32xf32, #tpu.memory_space<vmem>>
      %dma_wait3A_195 = arith.constant 0 : i32
      %dma_wait3A_196 = tpu.memref_slice %arg10[%dma_wait3A, %dma_wait3A_195] : memref<16x128xi32, #tpu.memory_space<vmem>> -> memref<1x128xi32, #tpu.memory_space<vmem>>
      %dma_wait3A_197 = tpu.memref_squeeze %dma_wait3A_196 : memref<1x128xi32, #tpu.memory_space<vmem>> -> memref<128xi32, #tpu.memory_space<vmem>>
      %dma_wait3A_198 = arith.constant 0 : i32
      %dma_wait3A_199 = arith.constant 0 : i32
      %dma_wait3A_200 = tpu.memref_slice %arg3[%dma_wait3A_198, %dma_wait3A_199] : memref<122896x32xf32, #tpu.memory_space<hbm>> -> memref<122896x32xf32, #tpu.memory_space<hbm>>
      tpu.wait_indirect_dma semaphore(%arg14 : memref<!tpu.dma_semaphore, #tpu.memory_space<semaphore_mem>>) src(%dma_wait3A_200 : memref<122896x32xf32, #tpu.memory_space<hbm>>) dst(%dma_wait3A_194 : memref<128x32xf32, #tpu.memory_space<vmem>>)
      %dma_wait3A_201 = arith.constant 1 : i32
      %dma_wait3A_202 = arith.constant 128 : i32
      %dma_wait3A_203 = arith.constant 0 : i32
      %dma_wait3A_204 = tpu.memref_slice %arg12[%dma_wait3A_202, %dma_wait3A_203] : memref<2048x32xf32, #tpu.memory_space<vmem>> -> memref<128x32xf32, #tpu.memory_space<vmem>>
      %dma_wait3A_205 = arith.constant 0 : i32
      %dma_wait3A_206 = tpu.memref_slice %arg10[%dma_wait3A_201, %dma_wait3A_205] : memref<16x128xi32, #tpu.memory_space<vmem>> -> memref<1x128xi32, #tpu.memory_space<vmem>>
      %dma_wait3A_207 = tpu.memref_squeeze %dma_wait3A_206 : memref<1x128xi32, #tpu.memory_space<vmem>> -> memref<128xi32, #tpu.memory_space<vmem>>
      %dma_wait3A_208 = arith.constant 0 : i32
      %dma_wait3A_209 = arith.constant 0 : i32
      %dma_wait3A_210 = tpu.memref_slice %arg3[%dma_wait3A_208, %dma_wait3A_209] : memref<122896x32xf32, #tpu.memory_space<hbm>> -> memref<122896x32xf32, #tpu.memory_space<hbm>>
      tpu.wait_indirect_dma semaphore(%arg14 : memref<!tpu.dma_semaphore, #tpu.memory_space<semaphore_mem>>) src(%dma_wait3A_210 : memref<122896x32xf32, #tpu.memory_space<hbm>>) dst(%dma_wait3A_204 : memref<128x32xf32, #tpu.memory_space<vmem>>)
      %dma_wait3A_211 = arith.constant 2 : i32
      %dma_wait3A_212 = arith.constant 256 : i32
      %dma_wait3A_213 = arith.constant 0 : i32
      %dma_wait3A_214 = tpu.memref_slice %arg12[%dma_wait3A_212, %dma_wait3A_213] : memref<2048x32xf32, #tpu.memory_space<vmem>> -> memref<128x32xf32, #tpu.memory_space<vmem>>
      %dma_wait3A_215 = arith.constant 0 : i32
      %dma_wait3A_216 = tpu.memref_slice %arg10[%dma_wait3A_211, %dma_wait3A_215] : memref<16x128xi32, #tpu.memory_space<vmem>> -> memref<1x128xi32, #tpu.memory_space<vmem>>
      %dma_wait3A_217 = tpu.memref_squeeze %dma_wait3A_216 : memref<1x128xi32, #tpu.memory_space<vmem>> -> memref<128xi32, #tpu.memory_space<vmem>>
      %dma_wait3A_218 = arith.constant 0 : i32
      %dma_wait3A_219 = arith.constant 0 : i32
      %dma_wait3A_220 = tpu.memref_slice %arg3[%dma_wait3A_218, %dma_wait3A_219] : memref<122896x32xf32, #tpu.memory_space<hbm>> -> memref<122896x32xf32, #tpu.memory_space<hbm>>
      tpu.wait_indirect_dma semaphore(%arg14 : memref<!tpu.dma_semaphore, #tpu.memory_space<semaphore_mem>>) src(%dma_wait3A_220 : memref<122896x32xf32, #tpu.memory_space<hbm>>) dst(%dma_wait3A_214 : memref<128x32xf32, #tpu.memory_space<vmem>>)
      %dma_wait3A_221 = arith.constant 3 : i32
      %dma_wait3A_222 = arith.constant 384 : i32
      %dma_wait3A_223 = arith.constant 0 : i32
      %dma_wait3A_224 = tpu.memref_slice %arg12[%dma_wait3A_222, %dma_wait3A_223] : memref<2048x32xf32, #tpu.memory_space<vmem>> -> memref<128x32xf32, #tpu.memory_space<vmem>>
      %dma_wait3A_225 = arith.constant 0 : i32
      %dma_wait3A_226 = tpu.memref_slice %arg10[%dma_wait3A_221, %dma_wait3A_225] : memref<16x128xi32, #tpu.memory_space<vmem>> -> memref<1x128xi32, #tpu.memory_space<vmem>>
      %dma_wait3A_227 = tpu.memref_squeeze %dma_wait3A_226 : memref<1x128xi32, #tpu.memory_space<vmem>> -> memref<128xi32, #tpu.memory_space<vmem>>
      %dma_wait3A_228 = arith.constant 0 : i32
      %dma_wait3A_229 = arith.constant 0 : i32
      %dma_wait3A_230 = tpu.memref_slice %arg3[%dma_wait3A_228, %dma_wait3A_229] : memref<122896x32xf32, #tpu.memory_space<hbm>> -> memref<122896x32xf32, #tpu.memory_space<hbm>>
      tpu.wait_indirect_dma semaphore(%arg14 : memref<!tpu.dma_semaphore, #tpu.memory_space<semaphore_mem>>) src(%dma_wait3A_230 : memref<122896x32xf32, #tpu.memory_space<hbm>>) dst(%dma_wait3A_224 : memref<128x32xf32, #tpu.memory_space<vmem>>)
      %dma_wait3A_231 = arith.constant 4 : i32
      %dma_wait3A_232 = arith.constant 512 : i32
      %dma_wait3A_233 = arith.constant 0 : i32
      %dma_wait3A_234 = tpu.memref_slice %arg12[%dma_wait3A_232, %dma_wait3A_233] : memref<2048x32xf32, #tpu.memory_space<vmem>> -> memref<128x32xf32, #tpu.memory_space<vmem>>
      %dma_wait3A_235 = arith.constant 0 : i32
      %dma_wait3A_236 = tpu.memref_slice %arg10[%dma_wait3A_231, %dma_wait3A_235] : memref<16x128xi32, #tpu.memory_space<vmem>> -> memref<1x128xi32, #tpu.memory_space<vmem>>
      %dma_wait3A_237 = tpu.memref_squeeze %dma_wait3A_236 : memref<1x128xi32, #tpu.memory_space<vmem>> -> memref<128xi32, #tpu.memory_space<vmem>>
      %dma_wait3A_238 = arith.constant 0 : i32
      %dma_wait3A_239 = arith.constant 0 : i32
      %dma_wait3A_240 = tpu.memref_slice %arg3[%dma_wait3A_238, %dma_wait3A_239] : memref<122896x32xf32, #tpu.memory_space<hbm>> -> memref<122896x32xf32, #tpu.memory_space<hbm>>
      tpu.wait_indirect_dma semaphore(%arg14 : memref<!tpu.dma_semaphore, #tpu.memory_space<semaphore_mem>>) src(%dma_wait3A_240 : memref<122896x32xf32, #tpu.memory_space<hbm>>) dst(%dma_wait3A_234 : memref<128x32xf32, #tpu.memory_space<vmem>>)
      %dma_wait3A_241 = arith.constant 5 : i32
      %dma_wait3A_242 = arith.constant 640 : i32
      %dma_wait3A_243 = arith.constant 0 : i32
      %dma_wait3A_244 = tpu.memref_slice %arg12[%dma_wait3A_242, %dma_wait3A_243] : memref<2048x32xf32, #tpu.memory_space<vmem>> -> memref<128x32xf32, #tpu.memory_space<vmem>>
      %dma_wait3A_245 = arith.constant 0 : i32
      %dma_wait3A_246 = tpu.memref_slice %arg10[%dma_wait3A_241, %dma_wait3A_245] : memref<16x128xi32, #tpu.memory_space<vmem>> -> memref<1x128xi32, #tpu.memory_space<vmem>>
      %dma_wait3A_247 = tpu.memref_squeeze %dma_wait3A_246 : memref<1x128xi32, #tpu.memory_space<vmem>> -> memref<128xi32, #tpu.memory_space<vmem>>
      %dma_wait3A_248 = arith.constant 0 : i32
      %dma_wait3A_249 = arith.constant 0 : i32
      %dma_wait3A_250 = tpu.memref_slice %arg3[%dma_wait3A_248, %dma_wait3A_249] : memref<122896x32xf32, #tpu.memory_space<hbm>> -> memref<122896x32xf32, #tpu.memory_space<hbm>>
      tpu.wait_indirect_dma semaphore(%arg14 : memref<!tpu.dma_semaphore, #tpu.memory_space<semaphore_mem>>) src(%dma_wait3A_250 : memref<122896x32xf32, #tpu.memory_space<hbm>>) dst(%dma_wait3A_244 : memref<128x32xf32, #tpu.memory_space<vmem>>)
      %dma_wait3A_251 = arith.constant 6 : i32
      %dma_wait3A_252 = arith.constant 768 : i32
      %dma_wait3A_253 = arith.constant 0 : i32
      %dma_wait3A_254 = tpu.memref_slice %arg12[%dma_wait3A_252, %dma_wait3A_253] : memref<2048x32xf32, #tpu.memory_space<vmem>> -> memref<128x32xf32, #tpu.memory_space<vmem>>
      %dma_wait3A_255 = arith.constant 0 : i32
      %dma_wait3A_256 = tpu.memref_slice %arg10[%dma_wait3A_251, %dma_wait3A_255] : memref<16x128xi32, #tpu.memory_space<vmem>> -> memref<1x128xi32, #tpu.memory_space<vmem>>
      %dma_wait3A_257 = tpu.memref_squeeze %dma_wait3A_256 : memref<1x128xi32, #tpu.memory_space<vmem>> -> memref<128xi32, #tpu.memory_space<vmem>>
      %dma_wait3A_258 = arith.constant 0 : i32
      %dma_wait3A_259 = arith.constant 0 : i32
      %dma_wait3A_260 = tpu.memref_slice %arg3[%dma_wait3A_258, %dma_wait3A_259] : memref<122896x32xf32, #tpu.memory_space<hbm>> -> memref<122896x32xf32, #tpu.memory_space<hbm>>
      tpu.wait_indirect_dma semaphore(%arg14 : memref<!tpu.dma_semaphore, #tpu.memory_space<semaphore_mem>>) src(%dma_wait3A_260 : memref<122896x32xf32, #tpu.memory_space<hbm>>) dst(%dma_wait3A_254 : memref<128x32xf32, #tpu.memory_space<vmem>>)
      %dma_wait3A_261 = arith.constant 7 : i32
      %dma_wait3A_262 = arith.constant 896 : i32
      %dma_wait3A_263 = arith.constant 0 : i32
      %dma_wait3A_264 = tpu.memref_slice %arg12[%dma_wait3A_262, %dma_wait3A_263] : memref<2048x32xf32, #tpu.memory_space<vmem>> -> memref<128x32xf32, #tpu.memory_space<vmem>>
      %dma_wait3A_265 = arith.constant 0 : i32
      %dma_wait3A_266 = tpu.memref_slice %arg10[%dma_wait3A_261, %dma_wait3A_265] : memref<16x128xi32, #tpu.memory_space<vmem>> -> memref<1x128xi32, #tpu.memory_space<vmem>>
      %dma_wait3A_267 = tpu.memref_squeeze %dma_wait3A_266 : memref<1x128xi32, #tpu.memory_space<vmem>> -> memref<128xi32, #tpu.memory_space<vmem>>
      %dma_wait3A_268 = arith.constant 0 : i32
      %dma_wait3A_269 = arith.constant 0 : i32
      %dma_wait3A_270 = tpu.memref_slice %arg3[%dma_wait3A_268, %dma_wait3A_269] : memref<122896x32xf32, #tpu.memory_space<hbm>> -> memref<122896x32xf32, #tpu.memory_space<hbm>>
      tpu.wait_indirect_dma semaphore(%arg14 : memref<!tpu.dma_semaphore, #tpu.memory_space<semaphore_mem>>) src(%dma_wait3A_270 : memref<122896x32xf32, #tpu.memory_space<hbm>>) dst(%dma_wait3A_264 : memref<128x32xf32, #tpu.memory_space<vmem>>)
      %dma_wait3A_271 = arith.constant 8 : i32
      %dma_wait3A_272 = arith.constant 1024 : i32
      %dma_wait3A_273 = arith.constant 0 : i32
      %dma_wait3A_274 = tpu.memref_slice %arg12[%dma_wait3A_272, %dma_wait3A_273] : memref<2048x32xf32, #tpu.memory_space<vmem>> -> memref<128x32xf32, #tpu.memory_space<vmem>>
      %dma_wait3A_275 = arith.constant 0 : i32
      %dma_wait3A_276 = tpu.memref_slice %arg10[%dma_wait3A_271, %dma_wait3A_275] : memref<16x128xi32, #tpu.memory_space<vmem>> -> memref<1x128xi32, #tpu.memory_space<vmem>>
      %dma_wait3A_277 = tpu.memref_squeeze %dma_wait3A_276 : memref<1x128xi32, #tpu.memory_space<vmem>> -> memref<128xi32, #tpu.memory_space<vmem>>
      %dma_wait3A_278 = arith.constant 0 : i32
      %dma_wait3A_279 = arith.constant 0 : i32
      %dma_wait3A_280 = tpu.memref_slice %arg3[%dma_wait3A_278, %dma_wait3A_279] : memref<122896x32xf32, #tpu.memory_space<hbm>> -> memref<122896x32xf32, #tpu.memory_space<hbm>>
      tpu.wait_indirect_dma semaphore(%arg14 : memref<!tpu.dma_semaphore, #tpu.memory_space<semaphore_mem>>) src(%dma_wait3A_280 : memref<122896x32xf32, #tpu.memory_space<hbm>>) dst(%dma_wait3A_274 : memref<128x32xf32, #tpu.memory_space<vmem>>)
      %dma_wait3A_281 = arith.constant 9 : i32
      %dma_wait3A_282 = arith.constant 1152 : i32
      %dma_wait3A_283 = arith.constant 0 : i32
      %dma_wait3A_284 = tpu.memref_slice %arg12[%dma_wait3A_282, %dma_wait3A_283] : memref<2048x32xf32, #tpu.memory_space<vmem>> -> memref<128x32xf32, #tpu.memory_space<vmem>>
      %dma_wait3A_285 = arith.constant 0 : i32
      %dma_wait3A_286 = tpu.memref_slice %arg10[%dma_wait3A_281, %dma_wait3A_285] : memref<16x128xi32, #tpu.memory_space<vmem>> -> memref<1x128xi32, #tpu.memory_space<vmem>>
      %dma_wait3A_287 = tpu.memref_squeeze %dma_wait3A_286 : memref<1x128xi32, #tpu.memory_space<vmem>> -> memref<128xi32, #tpu.memory_space<vmem>>
      %dma_wait3A_288 = arith.constant 0 : i32
      %dma_wait3A_289 = arith.constant 0 : i32
      %dma_wait3A_290 = tpu.memref_slice %arg3[%dma_wait3A_288, %dma_wait3A_289] : memref<122896x32xf32, #tpu.memory_space<hbm>> -> memref<122896x32xf32, #tpu.memory_space<hbm>>
      tpu.wait_indirect_dma semaphore(%arg14 : memref<!tpu.dma_semaphore, #tpu.memory_space<semaphore_mem>>) src(%dma_wait3A_290 : memref<122896x32xf32, #tpu.memory_space<hbm>>) dst(%dma_wait3A_284 : memref<128x32xf32, #tpu.memory_space<vmem>>)
      %dma_wait3A_291 = arith.constant 10 : i32
      %dma_wait3A_292 = arith.constant 1280 : i32
      %dma_wait3A_293 = arith.constant 0 : i32
      %dma_wait3A_294 = tpu.memref_slice %arg12[%dma_wait3A_292, %dma_wait3A_293] : memref<2048x32xf32, #tpu.memory_space<vmem>> -> memref<128x32xf32, #tpu.memory_space<vmem>>
      %dma_wait3A_295 = arith.constant 0 : i32
      %dma_wait3A_296 = tpu.memref_slice %arg10[%dma_wait3A_291, %dma_wait3A_295] : memref<16x128xi32, #tpu.memory_space<vmem>> -> memref<1x128xi32, #tpu.memory_space<vmem>>
      %dma_wait3A_297 = tpu.memref_squeeze %dma_wait3A_296 : memref<1x128xi32, #tpu.memory_space<vmem>> -> memref<128xi32, #tpu.memory_space<vmem>>
      %dma_wait3A_298 = arith.constant 0 : i32
      %dma_wait3A_299 = arith.constant 0 : i32
      %dma_wait3A_300 = tpu.memref_slice %arg3[%dma_wait3A_298, %dma_wait3A_299] : memref<122896x32xf32, #tpu.memory_space<hbm>> -> memref<122896x32xf32, #tpu.memory_space<hbm>>
      tpu.wait_indirect_dma semaphore(%arg14 : memref<!tpu.dma_semaphore, #tpu.memory_space<semaphore_mem>>) src(%dma_wait3A_300 : memref<122896x32xf32, #tpu.memory_space<hbm>>) dst(%dma_wait3A_294 : memref<128x32xf32, #tpu.memory_space<vmem>>)
      %dma_wait3A_301 = arith.constant 11 : i32
      %dma_wait3A_302 = arith.constant 1408 : i32
      %dma_wait3A_303 = arith.constant 0 : i32
      %dma_wait3A_304 = tpu.memref_slice %arg12[%dma_wait3A_302, %dma_wait3A_303] : memref<2048x32xf32, #tpu.memory_space<vmem>> -> memref<128x32xf32, #tpu.memory_space<vmem>>
      %dma_wait3A_305 = arith.constant 0 : i32
      %dma_wait3A_306 = tpu.memref_slice %arg10[%dma_wait3A_301, %dma_wait3A_305] : memref<16x128xi32, #tpu.memory_space<vmem>> -> memref<1x128xi32, #tpu.memory_space<vmem>>
      %dma_wait3A_307 = tpu.memref_squeeze %dma_wait3A_306 : memref<1x128xi32, #tpu.memory_space<vmem>> -> memref<128xi32, #tpu.memory_space<vmem>>
      %dma_wait3A_308 = arith.constant 0 : i32
      %dma_wait3A_309 = arith.constant 0 : i32
      %dma_wait3A_310 = tpu.memref_slice %arg3[%dma_wait3A_308, %dma_wait3A_309] : memref<122896x32xf32, #tpu.memory_space<hbm>> -> memref<122896x32xf32, #tpu.memory_space<hbm>>
      tpu.wait_indirect_dma semaphore(%arg14 : memref<!tpu.dma_semaphore, #tpu.memory_space<semaphore_mem>>) src(%dma_wait3A_310 : memref<122896x32xf32, #tpu.memory_space<hbm>>) dst(%dma_wait3A_304 : memref<128x32xf32, #tpu.memory_space<vmem>>)
      %dma_wait3A_311 = arith.constant 12 : i32
      %dma_wait3A_312 = arith.constant 1536 : i32
      %dma_wait3A_313 = arith.constant 0 : i32
      %dma_wait3A_314 = tpu.memref_slice %arg12[%dma_wait3A_312, %dma_wait3A_313] : memref<2048x32xf32, #tpu.memory_space<vmem>> -> memref<128x32xf32, #tpu.memory_space<vmem>>
      %dma_wait3A_315 = arith.constant 0 : i32
      %dma_wait3A_316 = tpu.memref_slice %arg10[%dma_wait3A_311, %dma_wait3A_315] : memref<16x128xi32, #tpu.memory_space<vmem>> -> memref<1x128xi32, #tpu.memory_space<vmem>>
      %dma_wait3A_317 = tpu.memref_squeeze %dma_wait3A_316 : memref<1x128xi32, #tpu.memory_space<vmem>> -> memref<128xi32, #tpu.memory_space<vmem>>
      %dma_wait3A_318 = arith.constant 0 : i32
      %dma_wait3A_319 = arith.constant 0 : i32
      %dma_wait3A_320 = tpu.memref_slice %arg3[%dma_wait3A_318, %dma_wait3A_319] : memref<122896x32xf32, #tpu.memory_space<hbm>> -> memref<122896x32xf32, #tpu.memory_space<hbm>>
      tpu.wait_indirect_dma semaphore(%arg14 : memref<!tpu.dma_semaphore, #tpu.memory_space<semaphore_mem>>) src(%dma_wait3A_320 : memref<122896x32xf32, #tpu.memory_space<hbm>>) dst(%dma_wait3A_314 : memref<128x32xf32, #tpu.memory_space<vmem>>)
      %dma_wait3A_321 = arith.constant 13 : i32
      %dma_wait3A_322 = arith.constant 1664 : i32
      %dma_wait3A_323 = arith.constant 0 : i32
      %dma_wait3A_324 = tpu.memref_slice %arg12[%dma_wait3A_322, %dma_wait3A_323] : memref<2048x32xf32, #tpu.memory_space<vmem>> -> memref<128x32xf32, #tpu.memory_space<vmem>>
      %dma_wait3A_325 = arith.constant 0 : i32
      %dma_wait3A_326 = tpu.memref_slice %arg10[%dma_wait3A_321, %dma_wait3A_325] : memref<16x128xi32, #tpu.memory_space<vmem>> -> memref<1x128xi32, #tpu.memory_space<vmem>>
      %dma_wait3A_327 = tpu.memref_squeeze %dma_wait3A_326 : memref<1x128xi32, #tpu.memory_space<vmem>> -> memref<128xi32, #tpu.memory_space<vmem>>
      %dma_wait3A_328 = arith.constant 0 : i32
      %dma_wait3A_329 = arith.constant 0 : i32
      %dma_wait3A_330 = tpu.memref_slice %arg3[%dma_wait3A_328, %dma_wait3A_329] : memref<122896x32xf32, #tpu.memory_space<hbm>> -> memref<122896x32xf32, #tpu.memory_space<hbm>>
      tpu.wait_indirect_dma semaphore(%arg14 : memref<!tpu.dma_semaphore, #tpu.memory_space<semaphore_mem>>) src(%dma_wait3A_330 : memref<122896x32xf32, #tpu.memory_space<hbm>>) dst(%dma_wait3A_324 : memref<128x32xf32, #tpu.memory_space<vmem>>)
      %dma_wait3A_331 = arith.constant 14 : i32
      %dma_wait3A_332 = arith.constant 1792 : i32
      %dma_wait3A_333 = arith.constant 0 : i32
      %dma_wait3A_334 = tpu.memref_slice %arg12[%dma_wait3A_332, %dma_wait3A_333] : memref<2048x32xf32, #tpu.memory_space<vmem>> -> memref<128x32xf32, #tpu.memory_space<vmem>>
      %dma_wait3A_335 = arith.constant 0 : i32
      %dma_wait3A_336 = tpu.memref_slice %arg10[%dma_wait3A_331, %dma_wait3A_335] : memref<16x128xi32, #tpu.memory_space<vmem>> -> memref<1x128xi32, #tpu.memory_space<vmem>>
      %dma_wait3A_337 = tpu.memref_squeeze %dma_wait3A_336 : memref<1x128xi32, #tpu.memory_space<vmem>> -> memref<128xi32, #tpu.memory_space<vmem>>
      %dma_wait3A_338 = arith.constant 0 : i32
      %dma_wait3A_339 = arith.constant 0 : i32
      %dma_wait3A_340 = tpu.memref_slice %arg3[%dma_wait3A_338, %dma_wait3A_339] : memref<122896x32xf32, #tpu.memory_space<hbm>> -> memref<122896x32xf32, #tpu.memory_space<hbm>>
      tpu.wait_indirect_dma semaphore(%arg14 : memref<!tpu.dma_semaphore, #tpu.memory_space<semaphore_mem>>) src(%dma_wait3A_340 : memref<122896x32xf32, #tpu.memory_space<hbm>>) dst(%dma_wait3A_334 : memref<128x32xf32, #tpu.memory_space<vmem>>)
      %dma_wait3A_341 = arith.constant 15 : i32
      %dma_wait3A_342 = arith.constant 1920 : i32
      %dma_wait3A_343 = arith.constant 0 : i32
      %dma_wait3A_344 = tpu.memref_slice %arg12[%dma_wait3A_342, %dma_wait3A_343] : memref<2048x32xf32, #tpu.memory_space<vmem>> -> memref<128x32xf32, #tpu.memory_space<vmem>>
      %dma_wait3A_345 = arith.constant 0 : i32
      %dma_wait3A_346 = tpu.memref_slice %arg10[%dma_wait3A_341, %dma_wait3A_345] : memref<16x128xi32, #tpu.memory_space<vmem>> -> memref<1x128xi32, #tpu.memory_space<vmem>>
      %dma_wait3A_347 = tpu.memref_squeeze %dma_wait3A_346 : memref<1x128xi32, #tpu.memory_space<vmem>> -> memref<128xi32, #tpu.memory_space<vmem>>
      %dma_wait3A_348 = arith.constant 0 : i32
      %dma_wait3A_349 = arith.constant 0 : i32
      %dma_wait3A_350 = tpu.memref_slice %arg3[%dma_wait3A_348, %dma_wait3A_349] : memref<122896x32xf32, #tpu.memory_space<hbm>> -> memref<122896x32xf32, #tpu.memory_space<hbm>>
      tpu.wait_indirect_dma semaphore(%arg14 : memref<!tpu.dma_semaphore, #tpu.memory_space<semaphore_mem>>) src(%dma_wait3A_350 : memref<122896x32xf32, #tpu.memory_space<hbm>>) dst(%dma_wait3A_344 : memref<128x32xf32, #tpu.memory_space<vmem>>)
      %scan3A_351 = arith.constant 0 : i32
      %scan3A_352 = arith.constant 0 : i32
      %scan3A_353 = arith.constant 32 : i32
      %scan3A_354 = arith.addi %scan3A_352, %scan3A_353 : i32
      %scan3A_355 = arith.constant 1 : i32
      scf.for %scan3A_357 = %scan3A_352 to %scan3A_354 step %scan3A_355  : i32 {
        %mul3A_358 = arith.constant 64 : i32
        %mul3A_359 = arith.muli %scan3A_357, %mul3A_358 : i32
        %add3A_360 = arith.constant 0 : i32
        %add3A_361 = arith.addi %mul3A_359, %add3A_360 : i32
        %jit3A = arith.constant 128 : i32
        %div3A = arith.divsi %add3A_361, %jit3A : i32
        %sign3A = arith.constant 0 : i32
        %sign3A_362 = arith.cmpi sgt, %add3A_361, %sign3A : i32
        %sign3A_363 = arith.extui %sign3A_362 : i1 to i32
        %sign3A_364 = arith.constant 0 : i32
        %sign3A_365 = arith.cmpi slt, %add3A_361, %sign3A_364 : i32
        %sign3A_366 = arith.extui %sign3A_365 : i1 to i32
        %sign3A_367 = arith.subi %sign3A_363, %sign3A_366 : i32
        %sign3A_368 = arith.constant 0 : i32
        %sign3A_369 = arith.cmpi sgt, %jit3A, %sign3A_368 : i32
        %sign3A_370 = arith.extui %sign3A_369 : i1 to i32
        %sign3A_371 = arith.constant 0 : i32
        %sign3A_372 = arith.cmpi slt, %jit3A, %sign3A_371 : i32
        %sign3A_373 = arith.extui %sign3A_372 : i1 to i32
        %sign3A_374 = arith.subi %sign3A_370, %sign3A_373 : i32
        %ne3A = arith.cmpi ne, %sign3A_367, %sign3A_374 : i32
        %rem3A = arith.remsi %add3A_361, %jit3A : i32
        %ne3A_375 = arith.constant 0 : i32
        %ne3A_376 = arith.cmpi ne, %rem3A, %ne3A_375 : i32
        %and3A = arith.andi %ne3A, %ne3A_376 : i1
        %sub3A = arith.constant 1 : i32
        %sub3A_377 = arith.subi %div3A, %sub3A : i32
        %select_n3A = arith.select %and3A, %sub3A_377, %div3A : i32
        %rem3A_378 = arith.constant 128 : i32
        %rem3A_379 = arith.remsi %add3A_361, %rem3A_378 : i32
        %get3A_380 = arith.index_cast %select_n3A : i32 to index
        %get3A_381 = arith.index_cast %rem3A_379 : i32 to index
        %get3A_382 = tpu.vector_load %arg11[%get3A_380, %get3A_381] {strides = array<i32>} : memref<16x128xf32, #tpu.memory_space<vmem>>, vector<16xf32>,
        %mul3A_383 = arith.constant 64 : i32
        %mul3A_384 = arith.muli %scan3A_357, %mul3A_383 : i32
        %add3A_385 = arith.constant 16 : i32
        %add3A_386 = arith.addi %mul3A_384, %add3A_385 : i32
        %jit3A_387 = arith.constant 128 : i32
        %div3A_388 = arith.divsi %add3A_386, %jit3A_387 : i32
        %sign3A_389 = arith.constant 0 : i32
        %sign3A_390 = arith.cmpi sgt, %add3A_386, %sign3A_389 : i32
        %sign3A_391 = arith.extui %sign3A_390 : i1 to i32
        %sign3A_392 = arith.constant 0 : i32
        %sign3A_393 = arith.cmpi slt, %add3A_386, %sign3A_392 : i32
        %sign3A_394 = arith.extui %sign3A_393 : i1 to i32
        %sign3A_395 = arith.subi %sign3A_391, %sign3A_394 : i32
        %sign3A_396 = arith.constant 0 : i32
        %sign3A_397 = arith.cmpi sgt, %jit3A_387, %sign3A_396 : i32
        %sign3A_398 = arith.extui %sign3A_397 : i1 to i32
        %sign3A_399 = arith.constant 0 : i32
        %sign3A_400 = arith.cmpi slt, %jit3A_387, %sign3A_399 : i32
        %sign3A_401 = arith.extui %sign3A_400 : i1 to i32
        %sign3A_402 = arith.subi %sign3A_398, %sign3A_401 : i32
        %ne3A_403 = arith.cmpi ne, %sign3A_395, %sign3A_402 : i32
        %rem3A_404 = arith.remsi %add3A_386, %jit3A_387 : i32
        %ne3A_405 = arith.constant 0 : i32
        %ne3A_406 = arith.cmpi ne, %rem3A_404, %ne3A_405 : i32
        %and3A_407 = arith.andi %ne3A_403, %ne3A_406 : i1
        %sub3A_408 = arith.constant 1 : i32
        %sub3A_409 = arith.subi %div3A_388, %sub3A_408 : i32
        %select_n3A_410 = arith.select %and3A_407, %sub3A_409, %div3A_388 : i32
        %rem3A_411 = arith.constant 128 : i32
        %rem3A_412 = arith.remsi %add3A_386, %rem3A_411 : i32
        %get3A_413 = arith.index_cast %select_n3A_410 : i32 to index
        %get3A_414 = arith.index_cast %rem3A_412 : i32 to index
        %get3A_415 = tpu.vector_load %arg11[%get3A_413, %get3A_414] {strides = array<i32>} : memref<16x128xf32, #tpu.memory_space<vmem>>, vector<16xf32>,
        %mul3A_416 = arith.constant 64 : i32
        %mul3A_417 = arith.muli %scan3A_357, %mul3A_416 : i32
        %add3A_418 = arith.constant 32 : i32
        %add3A_419 = arith.addi %mul3A_417, %add3A_418 : i32
        %jit3A_420 = arith.constant 128 : i32
        %div3A_421 = arith.divsi %add3A_419, %jit3A_420 : i32
        %sign3A_422 = arith.constant 0 : i32
        %sign3A_423 = arith.cmpi sgt, %add3A_419, %sign3A_422 : i32
        %sign3A_424 = arith.extui %sign3A_423 : i1 to i32
        %sign3A_425 = arith.constant 0 : i32
        %sign3A_426 = arith.cmpi slt, %add3A_419, %sign3A_425 : i32
        %sign3A_427 = arith.extui %sign3A_426 : i1 to i32
        %sign3A_428 = arith.subi %sign3A_424, %sign3A_427 : i32
        %sign3A_429 = arith.constant 0 : i32
        %sign3A_430 = arith.cmpi sgt, %jit3A_420, %sign3A_429 : i32
        %sign3A_431 = arith.extui %sign3A_430 : i1 to i32
        %sign3A_432 = arith.constant 0 : i32
        %sign3A_433 = arith.cmpi slt, %jit3A_420, %sign3A_432 : i32
        %sign3A_434 = arith.extui %sign3A_433 : i1 to i32
        %sign3A_435 = arith.subi %sign3A_431, %sign3A_434 : i32
        %ne3A_436 = arith.cmpi ne, %sign3A_428, %sign3A_435 : i32
        %rem3A_437 = arith.remsi %add3A_419, %jit3A_420 : i32
        %ne3A_438 = arith.constant 0 : i32
        %ne3A_439 = arith.cmpi ne, %rem3A_437, %ne3A_438 : i32
        %and3A_440 = arith.andi %ne3A_436, %ne3A_439 : i1
        %sub3A_441 = arith.constant 1 : i32
        %sub3A_442 = arith.subi %div3A_421, %sub3A_441 : i32
        %select_n3A_443 = arith.select %and3A_440, %sub3A_442, %div3A_421 : i32
        %rem3A_444 = arith.constant 128 : i32
        %rem3A_445 = arith.remsi %add3A_419, %rem3A_444 : i32
        %get3A_446 = arith.index_cast %select_n3A_443 : i32 to index
        %get3A_447 = arith.index_cast %rem3A_445 : i32 to index
        %get3A_448 = tpu.vector_load %arg11[%get3A_446, %get3A_447] {strides = array<i32>} : memref<16x128xf32, #tpu.memory_space<vmem>>, vector<16xf32>,
        %mul3A_449 = arith.constant 64 : i32
        %mul3A_450 = arith.muli %scan3A_357, %mul3A_449 : i32
        %add3A_451 = arith.constant 48 : i32
        %add3A_452 = arith.addi %mul3A_450, %add3A_451 : i32
        %jit3A_453 = arith.constant 128 : i32
        %div3A_454 = arith.divsi %add3A_452, %jit3A_453 : i32
        %sign3A_455 = arith.constant 0 : i32
        %sign3A_456 = arith.cmpi sgt, %add3A_452, %sign3A_455 : i32
        %sign3A_457 = arith.extui %sign3A_456 : i1 to i32
        %sign3A_458 = arith.constant 0 : i32
        %sign3A_459 = arith.cmpi slt, %add3A_452, %sign3A_458 : i32
        %sign3A_460 = arith.extui %sign3A_459 : i1 to i32
        %sign3A_461 = arith.subi %sign3A_457, %sign3A_460 : i32
        %sign3A_462 = arith.constant 0 : i32
        %sign3A_463 = arith.cmpi sgt, %jit3A_453, %sign3A_462 : i32
        %sign3A_464 = arith.extui %sign3A_463 : i1 to i32
        %sign3A_465 = arith.constant 0 : i32
        %sign3A_466 = arith.cmpi slt, %jit3A_453, %sign3A_465 : i32
        %sign3A_467 = arith.extui %sign3A_466 : i1 to i32
        %sign3A_468 = arith.subi %sign3A_464, %sign3A_467 : i32
        %ne3A_469 = arith.cmpi ne, %sign3A_461, %sign3A_468 : i32
        %rem3A_470 = arith.remsi %add3A_452, %jit3A_453 : i32
        %ne3A_471 = arith.constant 0 : i32
        %ne3A_472 = arith.cmpi ne, %rem3A_470, %ne3A_471 : i32
        %and3A_473 = arith.andi %ne3A_469, %ne3A_472 : i1
        %sub3A_474 = arith.constant 1 : i32
        %sub3A_475 = arith.subi %div3A_454, %sub3A_474 : i32
        %select_n3A_476 = arith.select %and3A_473, %sub3A_475, %div3A_454 : i32
        %rem3A_477 = arith.constant 128 : i32
        %rem3A_478 = arith.remsi %add3A_452, %rem3A_477 : i32
        %get3A_479 = arith.index_cast %select_n3A_476 : i32 to index
        %get3A_480 = arith.index_cast %rem3A_478 : i32 to index
        %get3A_481 = tpu.vector_load %arg11[%get3A_479, %get3A_480] {strides = array<i32>} : memref<16x128xf32, #tpu.memory_space<vmem>>, vector<16xf32>,
        %broadcast_in_dim3A = arith.constant 0.000000e+00 : f32
        %broadcast_in_dim3A_482 = vector.broadcast %broadcast_in_dim3A : f32 to vector<16xf32>
        %scan3A_483 = arith.constant 0 : i32
        %scan3A_484 = arith.constant 16 : i32
        %scan3A_485 = arith.addi %scan3A_483, %scan3A_484 : i32
        %scan3A_486 = arith.constant 2 : i32
        %scan3A_487:8 = scf.for %scan3A_500 = %scan3A_483 to %scan3A_485 step %scan3A_486 iter_args(%scan3A_501 = %broadcast_in_dim3A_482, %scan3A_502 = %broadcast_in_dim3A_482, %scan3A_503 = %broadcast_in_dim3A_482, %scan3A_504 = %broadcast_in_dim3A_482, %scan3A_505 = %broadcast_in_dim3A_482, %scan3A_506 = %broadcast_in_dim3A_482, %scan3A_507 = %broadcast_in_dim3A_482, %scan3A_508 = %broadcast_in_dim3A_482) -> (vector<16xf32>, vector<16xf32>, vector<16xf32>, vector<16xf32>, vector<16xf32>, vector<16xf32>, vector<16xf32>, vector<16xf32>)  : i32 {
          %broadcast_in_dim3A_509 = vector.broadcast %scan3A_500 : i32 to vector<16xi32>
          %lt3A = arith.constant 0 : i32
          %lt3A_510 = vector.broadcast %lt3A : i32 to vector<16xi32>
          %lt3A_511 = arith.cmpi slt, %broadcast_in_dim3A_509, %lt3A_510 : vector<16xi32>
          %add3A_512 = arith.constant 16 : i32
          %add3A_513 = vector.broadcast %add3A_512 : i32 to vector<16xi32>
          %add3A_514 = arith.addi %broadcast_in_dim3A_509, %add3A_513 : vector<16xi32>
          %select_n3A_515 = arith.select %lt3A_511, %add3A_514, %broadcast_in_dim3A_509 : vector<16xi1>, vector<16xi32>
          %broadcast_in_dim3A_516 = vector.shape_cast %select_n3A_515 : vector<16xi32> to vector<16x1xi32>
          %gather3A = vector.shape_cast %broadcast_in_dim3A_516 : vector<16x1xi32> to vector<16xi32>
          %gather3A_517 = tpu.dynamic_gather %get3A_382[%gather3A] in [0] : vector<16xf32>, vector<16xi32> -> vector<16xf32>
          %mul3A_518 = arith.constant 64 : i32
          %mul3A_519 = arith.muli %scan3A_357, %mul3A_518 : i32
          %add3A_520 = arith.constant 0 : i32
          %add3A_521 = arith.addi %mul3A_519, %add3A_520 : i32
          %add3A_522 = arith.addi %add3A_521, %scan3A_500 : i32
          %get3A_523 = arith.index_cast %add3A_522 : i32 to index
          %get3A_524 = arith.constant 0 : index
          %get3A_525 = tpu.vector_load %arg12[%get3A_523, %get3A_524] {strides = array<i32>} : memref<2048x32xf32, #tpu.memory_space<vmem>>, vector<16xf32>,
          %mul3A_526 = arith.mulf %gather3A_517, %get3A_525 : vector<16xf32>
          %add3A_527 = arith.addf %scan3A_501, %mul3A_526 : vector<16xf32>
          %get3A_528 = arith.index_cast %add3A_522 : i32 to index
          %get3A_529 = arith.constant 16 : index
          %get3A_530 = tpu.vector_load %arg12[%get3A_528, %get3A_529] {strides = array<i32>} : memref<2048x32xf32, #tpu.memory_space<vmem>>, vector<16xf32>,
          %mul3A_531 = arith.mulf %gather3A_517, %get3A_530 : vector<16xf32>
          %add3A_532 = arith.addf %scan3A_502, %mul3A_531 : vector<16xf32>
          %lt3A_533 = arith.constant 0 : i32
          %lt3A_534 = vector.broadcast %lt3A_533 : i32 to vector<16xi32>
          %lt3A_535 = arith.cmpi slt, %broadcast_in_dim3A_509, %lt3A_534 : vector<16xi32>
          %add3A_536 = arith.constant 16 : i32
          %add3A_537 = vector.broadcast %add3A_536 : i32 to vector<16xi32>
          %add3A_538 = arith.addi %broadcast_in_dim3A_509, %add3A_537 : vector<16xi32>
          %select_n3A_539 = arith.select %lt3A_535, %add3A_538, %broadcast_in_dim3A_509 : vector<16xi1>, vector<16xi32>
          %broadcast_in_dim3A_540 = vector.shape_cast %select_n3A_539 : vector<16xi32> to vector<16x1xi32>
          %gather3A_541 = vector.shape_cast %broadcast_in_dim3A_540 : vector<16x1xi32> to vector<16xi32>
          %gather3A_542 = tpu.dynamic_gather %get3A_415[%gather3A_541] in [0] : vector<16xf32>, vector<16xi32> -> vector<16xf32>
          %mul3A_543 = arith.constant 64 : i32
          %mul3A_544 = arith.muli %scan3A_357, %mul3A_543 : i32
          %add3A_545 = arith.constant 16 : i32
          %add3A_546 = arith.addi %mul3A_544, %add3A_545 : i32
          %add3A_547 = arith.addi %add3A_546, %scan3A_500 : i32
          %get3A_548 = arith.index_cast %add3A_547 : i32 to index
          %get3A_549 = arith.constant 0 : index
          %get3A_550 = tpu.vector_load %arg12[%get3A_548, %get3A_549] {strides = array<i32>} : memref<2048x32xf32, #tpu.memory_space<vmem>>, vector<16xf32>,
          %mul3A_551 = arith.mulf %gather3A_542, %get3A_550 : vector<16xf32>
          %add3A_552 = arith.addf %scan3A_503, %mul3A_551 : vector<16xf32>
          %get3A_553 = arith.index_cast %add3A_547 : i32 to index
          %get3A_554 = arith.constant 16 : index
          %get3A_555 = tpu.vector_load %arg12[%get3A_553, %get3A_554] {strides = array<i32>} : memref<2048x32xf32, #tpu.memory_space<vmem>>, vector<16xf32>,
          %mul3A_556 = arith.mulf %gather3A_542, %get3A_555 : vector<16xf32>
          %add3A_557 = arith.addf %scan3A_504, %mul3A_556 : vector<16xf32>
          %lt3A_558 = arith.constant 0 : i32
          %lt3A_559 = vector.broadcast %lt3A_558 : i32 to vector<16xi32>
          %lt3A_560 = arith.cmpi slt, %broadcast_in_dim3A_509, %lt3A_559 : vector<16xi32>
          %add3A_561 = arith.constant 16 : i32
          %add3A_562 = vector.broadcast %add3A_561 : i32 to vector<16xi32>
          %add3A_563 = arith.addi %broadcast_in_dim3A_509, %add3A_562 : vector<16xi32>
          %select_n3A_564 = arith.select %lt3A_560, %add3A_563, %broadcast_in_dim3A_509 : vector<16xi1>, vector<16xi32>
          %broadcast_in_dim3A_565 = vector.shape_cast %select_n3A_564 : vector<16xi32> to vector<16x1xi32>
          %gather3A_566 = vector.shape_cast %broadcast_in_dim3A_565 : vector<16x1xi32> to vector<16xi32>
          %gather3A_567 = tpu.dynamic_gather %get3A_448[%gather3A_566] in [0] : vector<16xf32>, vector<16xi32> -> vector<16xf32>
          %mul3A_568 = arith.constant 64 : i32
          %mul3A_569 = arith.muli %scan3A_357, %mul3A_568 : i32
          %add3A_570 = arith.constant 32 : i32
          %add3A_571 = arith.addi %mul3A_569, %add3A_570 : i32
          %add3A_572 = arith.addi %add3A_571, %scan3A_500 : i32
          %get3A_573 = arith.index_cast %add3A_572 : i32 to index
          %get3A_574 = arith.constant 0 : index
          %get3A_575 = tpu.vector_load %arg12[%get3A_573, %get3A_574] {strides = array<i32>} : memref<2048x32xf32, #tpu.memory_space<vmem>>, vector<16xf32>,
          %mul3A_576 = arith.mulf %gather3A_567, %get3A_575 : vector<16xf32>
          %add3A_577 = arith.addf %scan3A_505, %mul3A_576 : vector<16xf32>
          %get3A_578 = arith.index_cast %add3A_572 : i32 to index
          %get3A_579 = arith.constant 16 : index
          %get3A_580 = tpu.vector_load %arg12[%get3A_578, %get3A_579] {strides = array<i32>} : memref<2048x32xf32, #tpu.memory_space<vmem>>, vector<16xf32>,
          %mul3A_581 = arith.mulf %gather3A_567, %get3A_580 : vector<16xf32>
          %add3A_582 = arith.addf %scan3A_506, %mul3A_581 : vector<16xf32>
          %lt3A_583 = arith.constant 0 : i32
          %lt3A_584 = vector.broadcast %lt3A_583 : i32 to vector<16xi32>
          %lt3A_585 = arith.cmpi slt, %broadcast_in_dim3A_509, %lt3A_584 : vector<16xi32>
          %add3A_586 = arith.constant 16 : i32
          %add3A_587 = vector.broadcast %add3A_586 : i32 to vector<16xi32>
          %add3A_588 = arith.addi %broadcast_in_dim3A_509, %add3A_587 : vector<16xi32>
          %select_n3A_589 = arith.select %lt3A_585, %add3A_588, %broadcast_in_dim3A_509 : vector<16xi1>, vector<16xi32>
          %broadcast_in_dim3A_590 = vector.shape_cast %select_n3A_589 : vector<16xi32> to vector<16x1xi32>
          %gather3A_591 = vector.shape_cast %broadcast_in_dim3A_590 : vector<16x1xi32> to vector<16xi32>
          %gather3A_592 = tpu.dynamic_gather %get3A_481[%gather3A_591] in [0] : vector<16xf32>, vector<16xi32> -> vector<16xf32>
          %mul3A_593 = arith.constant 64 : i32
          %mul3A_594 = arith.muli %scan3A_357, %mul3A_593 : i32
          %add3A_595 = arith.constant 48 : i32
          %add3A_596 = arith.addi %mul3A_594, %add3A_595 : i32
          %add3A_597 = arith.addi %add3A_596, %scan3A_500 : i32
          %get3A_598 = arith.index_cast %add3A_597 : i32 to index
          %get3A_599 = arith.constant 0 : index
          %get3A_600 = tpu.vector_load %arg12[%get3A_598, %get3A_599] {strides = array<i32>} : memref<2048x32xf32, #tpu.memory_space<vmem>>, vector<16xf32>,
          %mul3A_601 = arith.mulf %gather3A_592, %get3A_600 : vector<16xf32>
          %add3A_602 = arith.addf %scan3A_507, %mul3A_601 : vector<16xf32>
          %get3A_603 = arith.index_cast %add3A_597 : i32 to index
          %get3A_604 = arith.constant 16 : index
          %get3A_605 = tpu.vector_load %arg12[%get3A_603, %get3A_604] {strides = array<i32>} : memref<2048x32xf32, #tpu.memory_space<vmem>>, vector<16xf32>,
          %mul3A_606 = arith.mulf %gather3A_592, %get3A_605 : vector<16xf32>
          %add3A_607 = arith.addf %scan3A_508, %mul3A_606 : vector<16xf32>
          %scan3A_608 = arith.constant 1 : i32
          %scan3A_609 = arith.addi %scan3A_500, %scan3A_608 : i32
          %broadcast_in_dim3A_610 = vector.broadcast %scan3A_609 : i32 to vector<16xi32>
          %lt3A_611 = arith.constant 0 : i32
          %lt3A_612 = vector.broadcast %lt3A_611 : i32 to vector<16xi32>
          %lt3A_613 = arith.cmpi slt, %broadcast_in_dim3A_610, %lt3A_612 : vector<16xi32>
          %add3A_614 = arith.constant 16 : i32
          %add3A_615 = vector.broadcast %add3A_614 : i32 to vector<16xi32>
          %add3A_616 = arith.addi %broadcast_in_dim3A_610, %add3A_615 : vector<16xi32>
          %select_n3A_617 = arith.select %lt3A_613, %add3A_616, %broadcast_in_dim3A_610 : vector<16xi1>, vector<16xi32>
          %broadcast_in_dim3A_618 = vector.shape_cast %select_n3A_617 : vector<16xi32> to vector<16x1xi32>
          %gather3A_619 = vector.shape_cast %broadcast_in_dim3A_618 : vector<16x1xi32> to vector<16xi32>
          %gather3A_620 = tpu.dynamic_gather %get3A_382[%gather3A_619] in [0] : vector<16xf32>, vector<16xi32> -> vector<16xf32>
          %mul3A_621 = arith.constant 64 : i32
          %mul3A_622 = arith.muli %scan3A_357, %mul3A_621 : i32
          %add3A_623 = arith.constant 0 : i32
          %add3A_624 = arith.addi %mul3A_622, %add3A_623 : i32
          %add3A_625 = arith.addi %add3A_624, %scan3A_609 : i32
          %get3A_626 = arith.index_cast %add3A_625 : i32 to index
          %get3A_627 = arith.constant 0 : index
          %get3A_628 = tpu.vector_load %arg12[%get3A_626, %get3A_627] {strides = array<i32>} : memref<2048x32xf32, #tpu.memory_space<vmem>>, vector<16xf32>,
          %mul3A_629 = arith.mulf %gather3A_620, %get3A_628 : vector<16xf32>
          %add3A_630 = arith.addf %add3A_527, %mul3A_629 : vector<16xf32>
          %get3A_631 = arith.index_cast %add3A_625 : i32 to index
          %get3A_632 = arith.constant 16 : index
          %get3A_633 = tpu.vector_load %arg12[%get3A_631, %get3A_632] {strides = array<i32>} : memref<2048x32xf32, #tpu.memory_space<vmem>>, vector<16xf32>,
          %mul3A_634 = arith.mulf %gather3A_620, %get3A_633 : vector<16xf32>
          %add3A_635 = arith.addf %add3A_532, %mul3A_634 : vector<16xf32>
          %lt3A_636 = arith.constant 0 : i32
          %lt3A_637 = vector.broadcast %lt3A_636 : i32 to vector<16xi32>
          %lt3A_638 = arith.cmpi slt, %broadcast_in_dim3A_610, %lt3A_637 : vector<16xi32>
          %add3A_639 = arith.constant 16 : i32
          %add3A_640 = vector.broadcast %add3A_639 : i32 to vector<16xi32>
          %add3A_641 = arith.addi %broadcast_in_dim3A_610, %add3A_640 : vector<16xi32>
          %select_n3A_642 = arith.select %lt3A_638, %add3A_641, %broadcast_in_dim3A_610 : vector<16xi1>, vector<16xi32>
          %broadcast_in_dim3A_643 = vector.shape_cast %select_n3A_642 : vector<16xi32> to vector<16x1xi32>
          %gather3A_644 = vector.shape_cast %broadcast_in_dim3A_643 : vector<16x1xi32> to vector<16xi32>
          %gather3A_645 = tpu.dynamic_gather %get3A_415[%gather3A_644] in [0] : vector<16xf32>, vector<16xi32> -> vector<16xf32>
          %mul3A_646 = arith.constant 64 : i32
          %mul3A_647 = arith.muli %scan3A_357, %mul3A_646 : i32
          %add3A_648 = arith.constant 16 : i32
          %add3A_649 = arith.addi %mul3A_647, %add3A_648 : i32
          %add3A_650 = arith.addi %add3A_649, %scan3A_609 : i32
          %get3A_651 = arith.index_cast %add3A_650 : i32 to index
          %get3A_652 = arith.constant 0 : index
          %get3A_653 = tpu.vector_load %arg12[%get3A_651, %get3A_652] {strides = array<i32>} : memref<2048x32xf32, #tpu.memory_space<vmem>>, vector<16xf32>,
          %mul3A_654 = arith.mulf %gather3A_645, %get3A_653 : vector<16xf32>
          %add3A_655 = arith.addf %add3A_552, %mul3A_654 : vector<16xf32>
          %get3A_656 = arith.index_cast %add3A_650 : i32 to index
          %get3A_657 = arith.constant 16 : index
          %get3A_658 = tpu.vector_load %arg12[%get3A_656, %get3A_657] {strides = array<i32>} : memref<2048x32xf32, #tpu.memory_space<vmem>>, vector<16xf32>,
          %mul3A_659 = arith.mulf %gather3A_645, %get3A_658 : vector<16xf32>
          %add3A_660 = arith.addf %add3A_557, %mul3A_659 : vector<16xf32>
          %lt3A_661 = arith.constant 0 : i32
          %lt3A_662 = vector.broadcast %lt3A_661 : i32 to vector<16xi32>
          %lt3A_663 = arith.cmpi slt, %broadcast_in_dim3A_610, %lt3A_662 : vector<16xi32>
          %add3A_664 = arith.constant 16 : i32
          %add3A_665 = vector.broadcast %add3A_664 : i32 to vector<16xi32>
          %add3A_666 = arith.addi %broadcast_in_dim3A_610, %add3A_665 : vector<16xi32>
          %select_n3A_667 = arith.select %lt3A_663, %add3A_666, %broadcast_in_dim3A_610 : vector<16xi1>, vector<16xi32>
          %broadcast_in_dim3A_668 = vector.shape_cast %select_n3A_667 : vector<16xi32> to vector<16x1xi32>
          %gather3A_669 = vector.shape_cast %broadcast_in_dim3A_668 : vector<16x1xi32> to vector<16xi32>
          %gather3A_670 = tpu.dynamic_gather %get3A_448[%gather3A_669] in [0] : vector<16xf32>, vector<16xi32> -> vector<16xf32>
          %mul3A_671 = arith.constant 64 : i32
          %mul3A_672 = arith.muli %scan3A_357, %mul3A_671 : i32
          %add3A_673 = arith.constant 32 : i32
          %add3A_674 = arith.addi %mul3A_672, %add3A_673 : i32
          %add3A_675 = arith.addi %add3A_674, %scan3A_609 : i32
          %get3A_676 = arith.index_cast %add3A_675 : i32 to index
          %get3A_677 = arith.constant 0 : index
          %get3A_678 = tpu.vector_load %arg12[%get3A_676, %get3A_677] {strides = array<i32>} : memref<2048x32xf32, #tpu.memory_space<vmem>>, vector<16xf32>,
          %mul3A_679 = arith.mulf %gather3A_670, %get3A_678 : vector<16xf32>
          %add3A_680 = arith.addf %add3A_577, %mul3A_679 : vector<16xf32>
          %get3A_681 = arith.index_cast %add3A_675 : i32 to index
          %get3A_682 = arith.constant 16 : index
          %get3A_683 = tpu.vector_load %arg12[%get3A_681, %get3A_682] {strides = array<i32>} : memref<2048x32xf32, #tpu.memory_space<vmem>>, vector<16xf32>,
          %mul3A_684 = arith.mulf %gather3A_670, %get3A_683 : vector<16xf32>
          %add3A_685 = arith.addf %add3A_582, %mul3A_684 : vector<16xf32>
          %lt3A_686 = arith.constant 0 : i32
          %lt3A_687 = vector.broadcast %lt3A_686 : i32 to vector<16xi32>
          %lt3A_688 = arith.cmpi slt, %broadcast_in_dim3A_610, %lt3A_687 : vector<16xi32>
          %add3A_689 = arith.constant 16 : i32
          %add3A_690 = vector.broadcast %add3A_689 : i32 to vector<16xi32>
          %add3A_691 = arith.addi %broadcast_in_dim3A_610, %add3A_690 : vector<16xi32>
          %select_n3A_692 = arith.select %lt3A_688, %add3A_691, %broadcast_in_dim3A_610 : vector<16xi1>, vector<16xi32>
          %broadcast_in_dim3A_693 = vector.shape_cast %select_n3A_692 : vector<16xi32> to vector<16x1xi32>
          %gather3A_694 = vector.shape_cast %broadcast_in_dim3A_693 : vector<16x1xi32> to vector<16xi32>
          %gather3A_695 = tpu.dynamic_gather %get3A_481[%gather3A_694] in [0] : vector<16xf32>, vector<16xi32> -> vector<16xf32>
          %mul3A_696 = arith.constant 64 : i32
          %mul3A_697 = arith.muli %scan3A_357, %mul3A_696 : i32
          %add3A_698 = arith.constant 48 : i32
          %add3A_699 = arith.addi %mul3A_697, %add3A_698 : i32
          %add3A_700 = arith.addi %add3A_699, %scan3A_609 : i32
          %get3A_701 = arith.index_cast %add3A_700 : i32 to index
          %get3A_702 = arith.constant 0 : index
          %get3A_703 = tpu.vector_load %arg12[%get3A_701, %get3A_702] {strides = array<i32>} : memref<2048x32xf32, #tpu.memory_space<vmem>>, vector<16xf32>,
          %mul3A_704 = arith.mulf %gather3A_695, %get3A_703 : vector<16xf32>
          %add3A_705 = arith.addf %add3A_602, %mul3A_704 : vector<16xf32>
          %get3A_706 = arith.index_cast %add3A_700 : i32 to index
          %get3A_707 = arith.constant 16 : index
          %get3A_708 = tpu.vector_load %arg12[%get3A_706, %get3A_707] {strides = array<i32>} : memref<2048x32xf32, #tpu.memory_space<vmem>>, vector<16xf32>,
          %mul3A_709 = arith.mulf %gather3A_695, %get3A_708 : vector<16xf32>
          %add3A_710 = arith.addf %add3A_607, %mul3A_709 : vector<16xf32>
          scf.yield %add3A_630, %add3A_635, %add3A_655, %add3A_660, %add3A_680, %add3A_685, %add3A_705, %add3A_710 : vector<16xf32>, vector<16xf32>, vector<16xf32>, vector<16xf32>, vector<16xf32>, vector<16xf32>, vector<16xf32>, vector<16xf32>
        }
        %scan3A_488 = arith.constant 16 : i32
        %add3A_489 = arith.addf %scan3A_487#0, %scan3A_487#2 : vector<16xf32>
        %add3A_490 = arith.addf %scan3A_487#4, %scan3A_487#6 : vector<16xf32>
        %add3A_491 = arith.addf %add3A_489, %add3A_490 : vector<16xf32>
        %swap3A = arith.index_cast %scan3A_357 : i32 to index
        %swap3A_492 = arith.constant 0 : index
        %swap3A_493 = tpu.vector_load %arg13[%swap3A, %swap3A_492] {strides = array<i32>} : memref<32x32xf32, #tpu.memory_space<vmem>>, vector<16xf32>,
        tpu.vector_store %arg13[%swap3A, %swap3A_492], %add3A_491 {strides = array<i32>} : memref<32x32xf32, #tpu.memory_space<vmem>>, vector<16xf32>,
        %add3A_494 = arith.addf %scan3A_487#1, %scan3A_487#3 : vector<16xf32>
        %add3A_495 = arith.addf %scan3A_487#5, %scan3A_487#7 : vector<16xf32>
        %add3A_496 = arith.addf %add3A_494, %add3A_495 : vector<16xf32>
        %swap3A_497 = arith.index_cast %scan3A_357 : i32 to index
        %swap3A_498 = arith.constant 16 : index
        %swap3A_499 = tpu.vector_load %arg13[%swap3A_497, %swap3A_498] {strides = array<i32>} : memref<32x32xf32, #tpu.memory_space<vmem>>, vector<16xf32>,
        tpu.vector_store %arg13[%swap3A_497, %swap3A_498], %add3A_496 {strides = array<i32>} : memref<32x32xf32, #tpu.memory_space<vmem>>, vector<16xf32>,
      }
      %scan3A_356 = arith.constant 32 : i32
      "tpu.region"() ({
        %run_scoped3A = tpu.sem_alloc : memref<!tpu.dma_semaphore, #tpu.memory_space<semaphore_mem>>
        %dma_start3A_357 = arith.constant 0 : i32
        %dma_start3A_358 = tpu.memref_slice %arg6[%mul3A_26, %dma_start3A_357] : memref<123904x32xf32, #tpu.memory_space<hbm>> -> memref<32x32xf32, #tpu.memory_space<hbm>>
        %dma_start3A_359 = arith.constant 0 : i32
        %dma_start3A_360 = tpu.memref_slice %arg6[%mul3A_26, %dma_start3A_359] : memref<123904x32xf32, #tpu.memory_space<hbm>> -> memref<32x32xf32, #tpu.memory_space<hbm>>
        tpu.enqueue_dma source(%arg13 : memref<32x32xf32, #tpu.memory_space<vmem>>) target(%dma_start3A_360 : memref<32x32xf32, #tpu.memory_space<hbm>>) target_semaphore(%run_scoped3A : memref<!tpu.dma_semaphore, #tpu.memory_space<semaphore_mem>>)
        %dma_wait3A_361 = arith.constant 0 : i32
        %dma_wait3A_362 = tpu.memref_slice %arg6[%mul3A_26, %dma_wait3A_361] : memref<123904x32xf32, #tpu.memory_space<hbm>> -> memref<32x32xf32, #tpu.memory_space<hbm>>
        %dma_wait3A_363 = arith.constant 0 : i32
        %dma_wait3A_364 = tpu.memref_slice %arg6[%mul3A_26, %dma_wait3A_363] : memref<123904x32xf32, #tpu.memory_space<hbm>> -> memref<32x32xf32, #tpu.memory_space<hbm>>
        tpu.wait_dma2 semaphore(%run_scoped3A : memref<!tpu.dma_semaphore, #tpu.memory_space<semaphore_mem>>) src(%arg13 : memref<32x32xf32, #tpu.memory_space<vmem>>) dst(%dma_wait3A_364 : memref<32x32xf32, #tpu.memory_space<hbm>>)
        tpu.yield
      }) : () -> ()
    }
    %scan3A_20 = arith.constant 121 : i32
    return
  }
}

module attributes {stable_mosaic.version = 14 : i64} {
  func.func @_proj_body(%arg0: i32, %arg1: memref<1936x256xf32, #tpu.memory_space<vmem>>, %arg2: memref<1936x256xf32, #tpu.memory_space<vmem>>, %arg3: memref<1936x8xf32, #tpu.memory_space<vmem>>, %arg4: memref<256x256xf32, #tpu.memory_space<vmem>>, %arg5: memref<1x256xf32, #tpu.memory_space<vmem>>, %arg6: memref<256x256xf32, #tpu.memory_space<vmem>>, %arg7: memref<1x256xf32, #tpu.memory_space<vmem>>, %arg8: memref<8x256xf32, #tpu.memory_space<vmem>>, %arg9: memref<256x128xf32, #tpu.memory_space<vmem>>, %arg10: memref<1x128xf32, #tpu.memory_space<vmem>>, %arg11: memref<1936x256xf32, #tpu.memory_space<vmem>>, %arg12: memref<1936x256xf32, #tpu.memory_space<vmem>>, %arg13: memref<1936x128xf32, #tpu.memory_space<vmem>>) attributes {dimension_semantics = [#tpu.dimension_semantics<arbitrary>], iteration_bounds = array<i64: 8>, scalar_prefetch = 0 : i64, scratch_operands = 0 : i64, tpu.core_type = #tpu.core_type<tc>, window_params = [{transform_indices = @transform_0, window_bounds = array<i64: 1936, 256>}, {transform_indices = @transform_1, window_bounds = array<i64: 1936, 256>}, {transform_indices = @transform_2, window_bounds = array<i64: 1936, 8>}, {pipeline_mode = #tpu.pipeline_mode<synchronous>, transform_indices = @transform_3, window_bounds = array<i64: 256, 256>}, {pipeline_mode = #tpu.pipeline_mode<synchronous>, transform_indices = @transform_4, window_bounds = array<i64: 1, 256>}, {pipeline_mode = #tpu.pipeline_mode<synchronous>, transform_indices = @transform_5, window_bounds = array<i64: 256, 256>}, {pipeline_mode = #tpu.pipeline_mode<synchronous>, transform_indices = @transform_6, window_bounds = array<i64: 1, 256>}, {pipeline_mode = #tpu.pipeline_mode<synchronous>, transform_indices = @transform_7, window_bounds = array<i64: 8, 256>}, {pipeline_mode = #tpu.pipeline_mode<synchronous>, transform_indices = @transform_8, window_bounds = array<i64: 256, 128>}, {pipeline_mode = #tpu.pipeline_mode<synchronous>, transform_indices = @transform_9, window_bounds = array<i64: 1, 128>}, {transform_indices = @transform_10, window_bounds = array<i64: 1936, 256>}, {transform_indices = @transform_11, window_bounds = array<i64: 1936, 256>}, {transform_indices = @transform_12, window_bounds = array<i64: 1936, 128>}]} {
    %get3A = arith.constant 0 : index
    %get3A_0 = arith.constant 0 : index
    %get3A_1 = vector.load %arg2[%get3A, %get3A_0] : memref<1936x256xf32, #tpu.memory_space<vmem>>, vector<1936x256xf32>
    %get3A_2 = arith.constant 0 : index
    %get3A_3 = arith.constant 0 : index
    %get3A_4 = vector.load %arg4[%get3A_2, %get3A_3] : memref<256x256xf32, #tpu.memory_space<vmem>>, vector<256x256xf32>
    %dot_general3A = arith.constant dense<0.000000e+00> : vector<1936x256xf32>
    %dot_general3A_5 = tpu.matmul %get3A_1, %get3A_4, %dot_general3A {dimension_numbers = #tpu.dot_dimension_numbers<[1], [0], [0], [1], [0, 0, 1, 1], [], []>, transpose_lhs_hint = false} : vector<1936x256xf32>, vector<256x256xf32>, vector<1936x256xf32> -> vector<1936x256xf32>
    %get3A_6 = arith.constant 0 : index
    %get3A_7 = arith.constant 0 : index
    %get3A_8 = vector.load %arg5[%get3A_6, %get3A_7] : memref<1x256xf32, #tpu.memory_space<vmem>>, vector<1x256xf32>
    %add3A = vector.broadcast %get3A_8 : vector<1x256xf32> to vector<1936x256xf32>
    %add3A_9 = arith.addf %dot_general3A_5, %add3A : vector<1936x256xf32>
    %swap3A = arith.constant 0 : index
    %swap3A_10 = arith.constant 0 : index
    %swap3A_11 = vector.load %arg11[%swap3A, %swap3A_10] : memref<1936x256xf32, #tpu.memory_space<vmem>>, vector<1936x256xf32>
    tpu.vector_store %arg11[%swap3A, %swap3A_10], %add3A_9 {strides = array<i32>} : memref<1936x256xf32, #tpu.memory_space<vmem>>, vector<1936x256xf32>,
    %get3A_12 = arith.constant 0 : index
    %get3A_13 = arith.constant 0 : index
    %get3A_14 = vector.load %arg3[%get3A_12, %get3A_13] : memref<1936x8xf32, #tpu.memory_space<vmem>>, vector<1936x8xf32>
    %convert_element_type3A = arith.truncf %get3A_14 : vector<1936x8xf32> to vector<1936x8xbf16>
    %convert_element_type3A_15 = arith.extf %convert_element_type3A : vector<1936x8xbf16> to vector<1936x8xf32>
    %sub3A = arith.subf %get3A_14, %convert_element_type3A_15 : vector<1936x8xf32>
    %get3A_16 = arith.constant 0 : index
    %get3A_17 = arith.constant 0 : index
    %get3A_18 = vector.load %arg1[%get3A_16, %get3A_17] : memref<1936x256xf32, #tpu.memory_space<vmem>>, vector<1936x256xf32>
    %get3A_19 = arith.constant 0 : index
    %get3A_20 = arith.constant 0 : index
    %get3A_21 = vector.load %arg6[%get3A_19, %get3A_20] : memref<256x256xf32, #tpu.memory_space<vmem>>, vector<256x256xf32>
    %dot_general3A_22 = arith.constant dense<0.000000e+00> : vector<1936x256xf32>
    %dot_general3A_23 = tpu.matmul %get3A_18, %get3A_21, %dot_general3A_22 {dimension_numbers = #tpu.dot_dimension_numbers<[1], [0], [0], [1], [0, 0, 1, 1], [], []>, transpose_lhs_hint = false} : vector<1936x256xf32>, vector<256x256xf32>, vector<1936x256xf32> -> vector<1936x256xf32>
    %get3A_24 = arith.constant 0 : index
    %get3A_25 = arith.constant 0 : index
    %get3A_26 = vector.load %arg8[%get3A_24, %get3A_25] : memref<8x256xf32, #tpu.memory_space<vmem>>, vector<8x256xf32>
    %dot_general3A_27 = arith.constant dense<0.000000e+00> : vector<1936x256xf32>
    %dot_general3A_28 = tpu.matmul %convert_element_type3A_15, %get3A_26, %dot_general3A_27 {dimension_numbers = #tpu.dot_dimension_numbers<[1], [0], [0], [1], [0, 0, 1, 1], [], []>, transpose_lhs_hint = false} : vector<1936x8xf32>, vector<8x256xf32>, vector<1936x256xf32> -> vector<1936x256xf32>
    %add3A_29 = arith.addf %dot_general3A_23, %dot_general3A_28 : vector<1936x256xf32>
    %get3A_30 = arith.constant 0 : index
    %get3A_31 = arith.constant 0 : index
    %get3A_32 = vector.load %arg8[%get3A_30, %get3A_31] : memref<8x256xf32, #tpu.memory_space<vmem>>, vector<8x256xf32>
    %dot_general3A_33 = arith.constant dense<0.000000e+00> : vector<1936x256xf32>
    %dot_general3A_34 = tpu.matmul %sub3A, %get3A_32, %dot_general3A_33 {dimension_numbers = #tpu.dot_dimension_numbers<[1], [0], [0], [1], [0, 0, 1, 1], [], []>, transpose_lhs_hint = false} : vector<1936x8xf32>, vector<8x256xf32>, vector<1936x256xf32> -> vector<1936x256xf32>
    %add3A_35 = arith.addf %add3A_29, %dot_general3A_34 : vector<1936x256xf32>
    %get3A_36 = arith.constant 0 : index
    %get3A_37 = arith.constant 0 : index
    %get3A_38 = vector.load %arg7[%get3A_36, %get3A_37] : memref<1x256xf32, #tpu.memory_space<vmem>>, vector<1x256xf32>
    %add3A_39 = vector.broadcast %get3A_38 : vector<1x256xf32> to vector<1936x256xf32>
    %add3A_40 = arith.addf %add3A_35, %add3A_39 : vector<1936x256xf32>
    %swap3A_41 = arith.constant 0 : index
    %swap3A_42 = arith.constant 0 : index
    %swap3A_43 = vector.load %arg12[%swap3A_41, %swap3A_42] : memref<1936x256xf32, #tpu.memory_space<vmem>>, vector<1936x256xf32>
    tpu.vector_store %arg12[%swap3A_41, %swap3A_42], %add3A_40 {strides = array<i32>} : memref<1936x256xf32, #tpu.memory_space<vmem>>, vector<1936x256xf32>,
    %get3A_44 = arith.constant 0 : index
    %get3A_45 = arith.constant 0 : index
    %get3A_46 = vector.load %arg1[%get3A_44, %get3A_45] : memref<1936x256xf32, #tpu.memory_space<vmem>>, vector<1936x256xf32>
    %get3A_47 = arith.constant 0 : index
    %get3A_48 = arith.constant 0 : index
    %get3A_49 = vector.load %arg9[%get3A_47, %get3A_48] : memref<256x128xf32, #tpu.memory_space<vmem>>, vector<256x128xf32>
    %dot_general3A_50 = arith.constant dense<0.000000e+00> : vector<1936x128xf32>
    %dot_general3A_51 = tpu.matmul %get3A_46, %get3A_49, %dot_general3A_50 {dimension_numbers = #tpu.dot_dimension_numbers<[1], [0], [0], [1], [0, 0, 1, 1], [], []>, transpose_lhs_hint = false} : vector<1936x256xf32>, vector<256x128xf32>, vector<1936x128xf32> -> vector<1936x128xf32>
    %get3A_52 = arith.constant 0 : index
    %get3A_53 = arith.constant 0 : index
    %get3A_54 = vector.load %arg10[%get3A_52, %get3A_53] : memref<1x128xf32, #tpu.memory_space<vmem>>, vector<1x128xf32>
    %add3A_55 = vector.broadcast %get3A_54 : vector<1x128xf32> to vector<1936x128xf32>
    %add3A_56 = arith.addf %dot_general3A_51, %add3A_55 : vector<1936x128xf32>
    %swap3A_57 = arith.constant 0 : index
    %swap3A_58 = arith.constant 0 : index
    %swap3A_59 = vector.load %arg13[%swap3A_57, %swap3A_58] : memref<1936x128xf32, #tpu.memory_space<vmem>>, vector<1936x128xf32>
    tpu.vector_store %arg13[%swap3A_57, %swap3A_58], %add3A_56 {strides = array<i32>} : memref<1936x128xf32, #tpu.memory_space<vmem>>, vector<1936x128xf32>,
    return
  }
  func.func @transform_0(%arg0: i32) -> (i32, i32) {
    %c0_i32 = arith.constant 0 : i32
    %c0_i32_0 = arith.constant 0 : i32
    return %arg0, %c0_i32 : i32, i32
  }
  func.func @transform_1(%arg0: i32) -> (i32, i32) {
    %c0_i32 = arith.constant 0 : i32
    %c0_i32_0 = arith.constant 0 : i32
    return %arg0, %c0_i32 : i32, i32
  }
  func.func @transform_2(%arg0: i32) -> (i32, i32) {
    %c0_i32 = arith.constant 0 : i32
    %c0_i32_0 = arith.constant 0 : i32
    return %arg0, %c0_i32 : i32, i32
  }
  func.func @transform_3(%arg0: i32) -> (i32, i32) {
    %c0_i32 = arith.constant 0 : i32
    %c0_i32_0 = arith.constant 0 : i32
    %c0_i32_1 = arith.constant 0 : i32
    return %c0_i32, %c0_i32_0 : i32, i32
  }
  func.func @transform_4(%arg0: i32) -> (i32, i32) {
    %c0_i32 = arith.constant 0 : i32
    %c0_i32_0 = arith.constant 0 : i32
    %c0_i32_1 = arith.constant 0 : i32
    return %c0_i32, %c0_i32_0 : i32, i32
  }
  func.func @transform_5(%arg0: i32) -> (i32, i32) {
    %c0_i32 = arith.constant 0 : i32
    %c0_i32_0 = arith.constant 0 : i32
    %c0_i32_1 = arith.constant 0 : i32
    return %c0_i32, %c0_i32_0 : i32, i32
  }
  func.func @transform_6(%arg0: i32) -> (i32, i32) {
    %c0_i32 = arith.constant 0 : i32
    %c0_i32_0 = arith.constant 0 : i32
    %c0_i32_1 = arith.constant 0 : i32
    return %c0_i32, %c0_i32_0 : i32, i32
  }
  func.func @transform_7(%arg0: i32) -> (i32, i32) {
    %c0_i32 = arith.constant 0 : i32
    %c0_i32_0 = arith.constant 0 : i32
    %c0_i32_1 = arith.constant 0 : i32
    return %c0_i32, %c0_i32_0 : i32, i32
  }
  func.func @transform_8(%arg0: i32) -> (i32, i32) {
    %c0_i32 = arith.constant 0 : i32
    %c0_i32_0 = arith.constant 0 : i32
    %c0_i32_1 = arith.constant 0 : i32
    return %c0_i32, %c0_i32_0 : i32, i32
  }
  func.func @transform_9(%arg0: i32) -> (i32, i32) {
    %c0_i32 = arith.constant 0 : i32
    %c0_i32_0 = arith.constant 0 : i32
    %c0_i32_1 = arith.constant 0 : i32
    return %c0_i32, %c0_i32_0 : i32, i32
  }
  func.func @transform_10(%arg0: i32) -> (i32, i32) {
    %c0_i32 = arith.constant 0 : i32
    %c0_i32_0 = arith.constant 0 : i32
    return %arg0, %c0_i32 : i32, i32
  }
  func.func @transform_11(%arg0: i32) -> (i32, i32) {
    %c0_i32 = arith.constant 0 : i32
    %c0_i32_0 = arith.constant 0 : i32
    return %arg0, %c0_i32 : i32, i32
  }
  func.func @transform_12(%arg0: i32) -> (i32, i32) {
    %c0_i32 = arith.constant 0 : i32
    %c0_i32_0 = arith.constant 0 : i32
    return %arg0, %c0_i32 : i32, i32
  }
}

module attributes {stable_mosaic.version = 14 : i64} {
  func.func @_out_body(%arg0: i32, %arg1: memref<1936x256xf32, #tpu.memory_space<vmem>>, %arg2: memref<256x256xf32, #tpu.memory_space<vmem>>, %arg3: memref<1x256xf32, #tpu.memory_space<vmem>>, %arg4: memref<1936x256xf32, #tpu.memory_space<vmem>>) attributes {dimension_semantics = [#tpu.dimension_semantics<arbitrary>], iteration_bounds = array<i64: 8>, scalar_prefetch = 0 : i64, scratch_operands = 0 : i64, tpu.core_type = #tpu.core_type<tc>, window_params = [{transform_indices = @transform_0, window_bounds = array<i64: 1936, 256>}, {pipeline_mode = #tpu.pipeline_mode<synchronous>, transform_indices = @transform_1, window_bounds = array<i64: 256, 256>}, {pipeline_mode = #tpu.pipeline_mode<synchronous>, transform_indices = @transform_2, window_bounds = array<i64: 1, 256>}, {transform_indices = @transform_3, window_bounds = array<i64: 1936, 256>}]} {
    %get3A = arith.constant 0 : index
    %get3A_0 = arith.constant 0 : index
    %get3A_1 = vector.load %arg1[%get3A, %get3A_0] : memref<1936x256xf32, #tpu.memory_space<vmem>>, vector<1936x256xf32>
    %get3A_2 = arith.constant 0 : index
    %get3A_3 = arith.constant 0 : index
    %get3A_4 = vector.load %arg2[%get3A_2, %get3A_3] : memref<256x256xf32, #tpu.memory_space<vmem>>, vector<256x256xf32>
    %dot_general3A = arith.constant dense<0.000000e+00> : vector<1936x256xf32>
    %dot_general3A_5 = tpu.matmul %get3A_1, %get3A_4, %dot_general3A {dimension_numbers = #tpu.dot_dimension_numbers<[1], [0], [0], [1], [0, 0, 1, 1], [], []>, transpose_lhs_hint = false} : vector<1936x256xf32>, vector<256x256xf32>, vector<1936x256xf32> -> vector<1936x256xf32>
    %get3A_6 = arith.constant 0 : index
    %get3A_7 = arith.constant 0 : index
    %get3A_8 = vector.load %arg3[%get3A_6, %get3A_7] : memref<1x256xf32, #tpu.memory_space<vmem>>, vector<1x256xf32>
    %add3A = vector.broadcast %get3A_8 : vector<1x256xf32> to vector<1936x256xf32>
    %add3A_9 = arith.addf %dot_general3A_5, %add3A : vector<1936x256xf32>
    %swap3A = arith.constant 0 : index
    %swap3A_10 = arith.constant 0 : index
    %swap3A_11 = vector.load %arg4[%swap3A, %swap3A_10] : memref<1936x256xf32, #tpu.memory_space<vmem>>, vector<1936x256xf32>
    tpu.vector_store %arg4[%swap3A, %swap3A_10], %add3A_9 {strides = array<i32>} : memref<1936x256xf32, #tpu.memory_space<vmem>>, vector<1936x256xf32>,
    return
  }
  func.func @transform_0(%arg0: i32) -> (i32, i32) {
    %c0_i32 = arith.constant 0 : i32
    %c0_i32_0 = arith.constant 0 : i32
    return %arg0, %c0_i32 : i32, i32
  }
  func.func @transform_1(%arg0: i32) -> (i32, i32) {
    %c0_i32 = arith.constant 0 : i32
    %c0_i32_0 = arith.constant 0 : i32
    %c0_i32_1 = arith.constant 0 : i32
    return %c0_i32, %c0_i32_0 : i32, i32
  }
  func.func @transform_2(%arg0: i32) -> (i32, i32) {
    %c0_i32 = arith.constant 0 : i32
    %c0_i32_0 = arith.constant 0 : i32
    %c0_i32_1 = arith.constant 0 : i32
    return %c0_i32, %c0_i32_0 : i32, i32
  }
  func.func @transform_3(%arg0: i32) -> (i32, i32) {
    %c0_i32 = arith.constant 0 : i32
    %c0_i32_0 = arith.constant 0 : i32
    return %arg0, %c0_i32 : i32, i32
  }
}

</mosaic_0001>

<sc_bundles>
// kernel: kernel.5.cloned.1.call-start
scs
__scs_entry_jumppad:
0x0: {  	(pc) =	sbr.rel $0x88, $3  }
0x1: {  	(tag) =	ssettag $0x0;
	lr =	simm.s32 $0x1  }
0x2: {  	[smem:$0x3F94] =	sst lr;
	_ =	strace $0xD0000000  }
0x3: {  	_ = 	snop  }
0x4: {  	_ = 	snop  }
0x5: {  	_ = 	snop  }
0x6: {  	_ = 	snop  }
0x7: {  	_ = 	snop  }
__scs_overlays_trampoline_lowered:
0x8: {  	[smem:$0x3FA3] =	sst s0  }
0x9: {  	[smem:$0x3FA4] =	sst s1  }
0xa: {  	[smem:$0x3FA5] =	sst s2  }
0xb: {  	[smem:$0x3FA6] =	sst s3  }
0xc: {  	[smem:$0x3FA7] =	sst s4  }
0xd: {  	[smem:$0x3FA8] =	sst s5  }
0xe: {  	[smem:$0x3FA9] =	sst s6  }
0xf: {  	[smem:$0x3FAA] =	sst s7  }
0x10: {  	[smem:$0x3FAB] =	sst s8  }
0x11: {  	[smem:$0x3FAC] =	sst s9;
	s0 =	simm.s32 @!p0 $0x0  }
0x12: {  	s1 =	sld [smem:$0x3F92];
	s0 =	simm.s32 @p0 $0x1  }
0x13: {  	[smem:$0x3FAD] =	sst s0;
	s0 =	simm.s32 @!p1 $0x0  }
0x14: {  	s2 =	sld [smem:$0x3F91];
	s0 =	simm.s32 @p1 $0x1  }
0x15: {  	[smem:$0x3FAE] =	sst s0;
	s0 =	simm.s32 @!p2 $0x0  }
0x16: {  	s3 =	sld [smem:$0x3FDB];
	s0 =	simm.s32 @p2 $0x1  }
0x17: {  	s4 =	simm.s32 $0x1BF5;
	[smem:$0x3FB0] =	sst s0  }
0x18: {  	s0 =	sld [smem:$0x3F93];
	_ =	swait.ge [sflag:s4], $0x0  }
0x19: {  	s7 =	sld [smem:$0x3F94]  }
0x1a: {  	s8 =	sadd.s32 $0xFFFFE003, lr  }
0x1b: {  	s9 =	sadd.s32 $0xFFFFFEF7, lr;
	s5 =	simm.s32 $0xFFFFFFFF;
	p2 =	slt.u32 s8, $0xFFFFF086  }
0x1c: {  	p1 =	slt.u32 s9, $0xF7A;
	s5 =	simm.s32 @!p2 $0x0  }
0x1d: {  	s5 =	simm.s32 @p1 $0x1;
	p0 =	seq.s32 s7, s2  }
0x1e: {  	s7 =	smul.u32 @!p0 $0xF7A, s2;
	p2 =	seq.s32 @!p0 s5, $0x0  }
0x1f: {  	s9 =	smul.u32 $0xF7A, s1;
	s8 =	simm.s32 @!p0 $0x1BF5;
	p2 =	por !p2, p0  }
0x20: {  	[sflag:s8] =	ssyncset.s32 @!p0 $0xFFFFF086;
	s6 =	sadd.s32 @!p0 s3, s7;
	s7 =	simm.s32 @!p0 $0x108  }
0x21: {  	s3 =	sadd.s32 s3, s9;
	s6 =	sadd.s32 @!p0 $0x88, s6;
	s7 =	simm.s32 @p2 $0x1082  }
0x22: {  	[simem:s7], [sflag:s8] =	dma.local @!p0 [hbm:s6], $0xF7A  }
0x23: {  	s9 =	sor.u32 $0xD0000000, s2;
	s6 =	simm.s32 $0x108;
	_ =	swait.ge @!p0 [sflag:s8], $0x0  }
0x24: {  	s3 =	sadd.s32 $0x88, s3;
	s6 =	simm.s32 @!p1 $0x1082;
	[sflag:s4] =	ssyncset.s32 $0xFFFFF086  }
0x25: {  	[simem:s6], [sflag:s4] =	dma.local [hbm:s3], $0xF7A  }
0x26: {  	[smem:$0x3F94] =	sst s1;
	(tag) =	ssettag s2;
	_ =	strace s9  }
0x27: {  	s1 =	sld [smem:$0x3FA4]  }
0x28: {  	s2 =	sld [smem:$0x3FA5]  }
0x29: {  	s4 =	sld [smem:$0x3FA7]  }
0x2a: {  	p0 =	seq.s32 s5, $0x0;
	s5 =	sld [smem:$0x3FA8]  }
0x2b: {  	s6 =	sld [smem:$0x3FA9]  }
0x2c: {  	s7 =	sld [smem:$0x3FAA]  }
0x2d: {  	s3 =	simm.s32 $0x108;
	s8 =	sld [smem:$0x3FAB]  }
0x2e: {  	s3 =	simm.s32 @!p0 $0x1082;
	s9 =	sld [smem:$0x3FAC]  }
0x2f: {  	lr =	sadd.s32 s0, s3;
	s0 =	sld [smem:$0x3FA3]  }
0x30: {  	s3 =	sld [smem:$0x3FA6]  }
0x31: {  	[smem:$0x3FAF] =	sst s10  }
0x32: {  	s10 =	sld [smem:$0x3FAD];
	_ =	sdelay $0x3  }
0x33: {  	p0 =	seq.s32 s10, $0x1;
	s10 =	sld [smem:$0x3FAF];
	_ =	sdelay $0x3  }
0x34: {  	[smem:$0x3FAF] =	sst s10  }
0x35: {  	s10 =	sld [smem:$0x3FAE];
	_ =	sdelay $0x3  }
0x36: {  	p1 =	seq.s32 s10, $0x1;
	s10 =	sld [smem:$0x3FAF];
	_ =	sdelay $0x3  }
0x37: {  	[smem:$0x3FAF] =	sst s10  }
0x38: {  	s10 =	sld [smem:$0x3FB0]  }
0x39: {  	_ = 	snop;
	(pc) =	sbr.ind lr, $3  }
0x3a: {  	_ = 	snop  }
0x3b: {  	_ = 	snop  }
0x3c: {  	p2 =	seq.s32 s10, $0x1;
	s10 =	sld [smem:$0x3FAF]  }
0x3d: {  	_ =	shalt  }
0x3e: {  	_ =	shalt  }
0x3f: {  	_ =	shalt  }
0x40: {  	_ =	shalt  }
0x41: {  	_ =	shalt  }
0x42: {  	_ =	shalt  }
0x43: {  	_ =	shalt  }
0x44: {  	_ =	shalt  }
0x45: {  	_ =	shalt  }
0x46: {  	_ =	shalt  }
0x47: {  	_ =	shalt  }
0x48: {  	_ =	shalt  }
0x49: {  	_ =	shalt  }
0x4a: {  	_ =	shalt  }
0x4b: {  	_ =	shalt  }
0x4c: {  	_ =	shalt  }
0x4d: {  	_ =	shalt  }
0x4e: {  	_ =	shalt  }
0x4f: {  	_ =	shalt  }
0x50: {  	_ =	shalt  }
0x51: {  	_ =	shalt  }
0x52: {  	_ =	shalt  }
0x53: {  	_ =	shalt  }
0x54: {  	_ =	shalt  }
0x55: {  	_ =	shalt  }
0x56: {  	_ =	shalt  }
0x57: {  	_ =	shalt  }
0x58: {  	_ =	shalt  }
0x59: {  	_ =	shalt  }
0x5a: {  	_ =	shalt  }
0x5b: {  	_ =	shalt  }
0x5c: {  	_ =	shalt  }
0x5d: {  	_ =	shalt  }
0x5e: {  	_ =	shalt  }
0x5f: {  	_ =	shalt  }
0x60: {  	_ =	shalt  }
0x61: {  	_ =	shalt  }
0x62: {  	_ =	shalt  }
0x63: {  	_ =	shalt  }
0x64: {  	_ =	shalt  }
0x65: {  	_ =	shalt  }
0x66: {  	_ =	shalt  }
0x67: {  	_ =	shalt  }
0x68: {  	_ =	shalt  }
0x69: {  	_ =	shalt  }
0x6a: {  	_ =	shalt  }
0x6b: {  	_ =	shalt  }
0x6c: {  	_ =	shalt  }
0x6d: {  	_ =	shalt  }
0x6e: {  	_ =	shalt  }
0x6f: {  	_ =	shalt  }
0x70: {  	_ =	shalt  }
0x71: {  	_ =	shalt  }
0x72: {  	_ =	shalt  }
0x73: {  	_ =	shalt  }
0x74: {  	_ =	shalt  }
0x75: {  	_ =	shalt  }
0x76: {  	_ =	shalt  }
0x77: {  	_ =	shalt  }
0x78: {  	_ =	shalt  }
0x79: {  	_ =	shalt  }
0x7a: {  	_ =	shalt  }
0x7b: {  	_ =	shalt  }
0x7c: {  	_ =	shalt  }
0x7d: {  	_ =	shalt  }
0x7e: {  	_ =	shalt  }
0x7f: {  	_ =	shalt  }
0x80: {  	_ =	shalt  }
0x81: {  	_ =	shalt  }
0x82: {  	_ =	shalt  }
0x83: {  	_ =	shalt  }
0x84: {  	_ =	shalt  }
0x85: {  	_ =	shalt  }
0x86: {  	_ =	shalt  }
0x87: {  	_ =	shalt  }
.Lfunc_end0:
.L_simem_size_0:
called_computation_lowered:
.L_overlay_start_0:
0x88: {  	s2 =	sld [smem:$0x3FD9]  }
0x89: {  	s3 =	sld [smem:$0x3FFE];
	_ =	sdelay $0x1  }
0x8a: {  	s1 =	srdreg.scid  }
0x8b: {  	s0 =	sand.u32 $0x1, s1  }
0x8c: {  	s17 =	sshll.u32 s0, $0xA;
	s2 =	sadd.s32 s3, s2  }
0x8d: {  	s2 =	sadd.s32 s2, s17  }
0x8e: {  	[smem:$0x3FBB] =	sst s2  }
0x8f: {  	_ = 	snop  }
0x90: {  	s2 =	sld [smem:$0x3FD0];
	(tm) =	ssettm $0x1  }
0x91: {  	s18 =	sld [smem:$0x3FFB];
	_ =	sdelay $0x3  }
0x92: {  	_ =	strace s18  }
0x93: {  	s3 =	sld [smem:$0x3FFC];
	_ =	sdelay $0x3  }
0x94: {  	_ =	strace s3  }
0x95: {  	s3 =	sld [smem:$0x3FFD];
	_ =	sdelay $0x3  }
0x96: {  	_ =	strace s3  }
0x97: {  	_ =	strace $0x8FFFFFFF  }
0x98: {  	s19 =	sld [smem:$0x3FDB];
	_ =	sdelay $0x1  }
0x99: {  	s4 =	simm.s32 $_scs_section_size  }
0x9a: {  	s5 =	simm.s32 $_size__tile_overlayer_lowered;
	s6 =	simm.s32 $_tile_overlayer_lowered  }
0x9b: {  	s22 =	simm.s32 $0x1BFF;
	s21 =	sshll.u32 s6, $0x1;
	s3 =	sadd.s32 s4, s19  }
0x9c: {  	s7 =	simm.s32 $0x0;
	s20 =	sshll.u32 s5, $0x1;
	s5 =	sadd.s32 s21, s3  }
0x9d: {  	[timem:s7], [sflag:s22] =	dma.local [hbm:s5], s20  }
0x9e: {  	_ =	swait.ge [sflag:s22], s20  }
0x9f: {  	s4 =	ssub.s32 $0x0, s20;
	[sflag:s22] =	ssyncset.done $0x0  }
0xa0: {  	[sflag:s22] =	ssyncadd.s32 s4;
	_ =	sdelay $0x1  }
0xa1: {  	s23 =	simm.s32 $0x1B8B  }
0xa2: {  	_ =	swait.ge [sflag:s23], $0x1  }
0xa3: {  	[sflag:s23] =	ssyncset.done $0x0  }
0xa4: {  	s25 =	simm.s32 $0x1B8E;
	s24 =	sld [smem:$0x3FFE];
	[sflag:s23] =	ssyncadd.s32 $0xFFFFFFFF  }
0xa5: {  	s26 =	simm.s32 $execute0_lowered;
	[smem:$0x3FD2] =	sst s25  }
0xa6: {  	s5 =	sshll.u32 s26, $0x1;
	_ =	strace $0x80000046;
	[dreg:$0x1] =	wrdreg $0xFFFFFFFF  }
0xa7: {  	s28 =	simm.s32 $_size_execute0_lowered;
	s3 =	sadd.s32 s3, s5;
	[dreg:$0x0] =	wrdreg $0x0  }
0xa8: {  	s5 =	sshll.u32 s28, $0x1;
	[dreg:$0x2] =	wrdreg s3  }
0xa9: {  	[dreg:$0x3] =	wrdreg s5  }
0xaa: {  	[dreg:$0x4] =	wrdreg $0xC0  }
0xab: {  	_ =	task [dreg:s7], $0x5FFFF  }
0xac: {  	[dreg:$0x1] =	wrdreg $0xFFFFFFFF  }
0xad: {  	[dreg:$0x0] =	wrdreg $0x60  }
0xae: {  	[dreg:$0x2] =	wrdreg s24  }
0xaf: {  	[dreg:$0x3] =	wrdreg s2  }
0xb0: {  	[dreg:$0x4] =	wrdreg $0x9  }
0xb1: {  	_ =	task.clear_ibuf [dreg:s7], $0x5FFFF;
	_ =	strace $0x90000046  }
0xb2: {  	s29 =	simm.s32 $0x9;
	_ =	strace $0x80000048  }
0xb3: {  	_ =	swait.ge [sflag:s29], $0x1  }
0xb4: {  	[sflag:s29] =	ssyncadd.s32 $0xFFFFFFFF  }
0xb5: {  	_ =	strace $0x90000048  }
0xb6: {  	_ =	sfence  }
0xb7: {  	s30 =	sld [smem:$0x0];
	_ =	sdelay $0x2  }
0xb8: {  	s31 =	sshll.u32 s1, $0xD;
	s1 =	sshrl.u32 s1, $0x2  }
0xb9: {  	s3 =	sand.u32 $0x4000, s31;
	s1 =	sadd.s32 s1, s30  }
0xba: {  	s0 =	sor.u32 s3, s0;
	s1 =	sshll.u32 s1, $0x11  }
0xbb: {  	s0 =	sor.u32 s1, s0  }
0xbc: {  	s0 =	sadd.s32 $0x8F2B, s0  }
0xbd: {  	[sflag:s0] =	ssyncadd.remote.s32 $0x1  }
0xbe: {  	_ =	sfence.sel $0xFFFF  }
0xbf: {  	[dreg:$0x0] =	wrdreg $0xFFFFFFFF;
	(pc) =	sbr.abs _section_cstart, $3  }
0xc0: {  	[dreg:$0x1] =	wrdreg $0xFFFFFFFF  }
0xc1: {  	_ =	task.clear_ibuf [dreg:s7], $0x2FFFF;
	_ =	strace $0x9FFFFFFF  }
0xc2: {  	(tm) =	ssettm $0x7FFFFFFF  }
0xc3: {  	_ =	shalt  }
tec
execute0_lowered:
.L_overlay_start_1:
0x0: {  	(tag) =	ssettag $0x1  }
0x1: {  	v0 =	vimm.s32 $0xBA98FEDC;
	v1 =	vimm.s32 $0x32107654  }
0x2: {  	v0 =	vunpack.c.l.s4.s8 v0;
	v1 =	vunpack.c.l.s4.s8 v1  }
0x3: {  	s0 =	rddreg [dreg:$0x0];
	s1 =	simm.s32 $0x0;
	s29 =	srdreg.scid;
	v2 =	vimm.s32 $0x76543210  }
0x4: {  	s7 =	stileid.u32;
	s11 =	simm.s32 $0x2;
	s12 =	simm.s32 $0x30;
	v3 =	vimm.s32 $0xFEDCBA98;
	v0 =	vunpack.c.0.s8.s32 v0;
	v1 =	vunpack.c.0.s8.s32 v1  }
0x5: {  	s14 =	simm.s32 $0x80;
	v4 =	vimm.s32 $0xDCFE98BA;
	v5 =	vimm.s32 $0x54761032;
	s17 =	simm.s32 $0xCB0;
	s18 =	simm.s32 $0xE630  }
0x6: {  	s19 =	simm.s32 $0xD30;
	s20 =	simm.s32 $0xF630;
	s21 =	simm.s32 $0xDB0;
	v6 =	vcombine.low v1, v0;
	v0 =	vimm.s32 $0xEFCDAB89  }
0x7: {  	s22 =	simm.s32 $0x10630;
	s23 =	simm.s32 $0x1;
	s24 =	simm.s32 $0x11630;
	v1 =	vunpack.c.l.s4.s8 v4;
	v4 =	vunpack.c.l.s4.s8 v5;
	v5 =	vimm.s32 $0x67452301  }
0x8: {  	[smem:$0x7FF] =	sst s1;
	s28 =	sadd.s32 $0x1800, s0;
	s5 =	sadd.s32 $0x1A00, s0;
	v3 =	vunpack.c.l.s4.s8 v3;
	v0 =	vunpack.c.l.s4.s8 v0;
	v5 =	vunpack.c.l.s4.s8 v5  }
0x9: {  	s1 =	sand.u32 $0x1, s29;
	s6 =	sadd.s32 $0x79C00, s0;
	s3 =	smul.u32 $0x1E40, s7;
	v2 =	vunpack.c.l.s4.s8 v2;
	v1 =	vunpack.c.0.s8.s32 v1;
	v4 =	vunpack.c.0.s8.s32 v4  }
0xa: {  	s8 =	sshll.u32 s7, $0x1;
	s2 =	ssub.s32 $0x2, s1;
	s9 =	smul.u32 $0xF20, s1;
	v3 =	vunpack.c.0.s8.s32 v3;
	v0 =	vunpack.c.0.s8.s32 v0;
	v5 =	vunpack.c.0.s8.s32 v5  }
0xb: {  	s7 =	sadd.s32 $0xF2C00, s0;
	_ =	strace $0x80000047;
	s4 =	sshrl.u32 s2, $0x1;
	v2 =	vunpack.c.0.s8.s32 v2;
	v4 =	vcombine.low v4, v1;
	v1 =	vlaneseq.u32  }
0xc: {  	[dreg:$0x3] =	wrdreg s28;
	s30 =	ssub.s32 s2, s4;
	s31 =	sadd.s32 s9, s3;
	v3 =	vand.u32 $0xF, v3;
	v5 =	vcombine.low v5, v0;
	v0 =	vmul.u32 $0x2, v1  }
0xd: {  	s1 =	sor.u32 s1, s8;
	s0 =	smax.u32 s30, $0x1;
	[dreg:$0x5] =	wrdreg s31;
	v1 =	vcombine.low v3, v2;
	v2 =	vand.u32 $0xF, v6;
	v6 =	vimm.s32 $0x0  }
0xe: {  	s8 =	smul.u32 $0x1E4, s1;
	s1 =	simm.s32 $0x0;
	[dreg:$0x4] =	wrdreg s0;
	v3 =	vand.u32 $0xF, v4;
	v4 =	vand.u32 $0xF, v5;
	v5 =	vor.u32 $0x1, v0  }
.LBB2_1:
0xf: {  	[dreg:$0x6] =	wrdreg s1  }
0x10: {  	s0 =	simm.s32 $0x0;
	s31 =	rddreg [dreg:$0x3]  }
0x11: {  	[tilespmem:s0], [sflag:$0x2] =	stream.linear.gather [hbm4b:s31+s0], $0x30, $0x38;
	[tilespmem:$0x11A30] =	vst v63  }
0x12: {  	_ =	swait.ge [sflag:s11], $0x30  }
0x13: {  	[sflag:s11] =	ssyncset.done $0x0  }
0x14: {  	[sflag:s11] =	ssyncadd.s32 $0xFFFFFFD0  }
0x15: {  	v7 =	vld [tilespmem:$0x0]  }
0x16: {  	v8 =	vld [tilespmem:$0x10];
	_ =	sdelay $0x1  }
0x17: {  	v9 =	vld [tilespmem:$0x20];
	_ =	sdelay $0x2  }
0x18: {  	v7 =	vtrunc.f32 v7;
	v8 =	vtrunc.f32 v8  }
0x19: {  	v7 =	vcvt.f32.s32 v7;
	v10 =	vcvt.f32.s32 v8  }
0x1a: {  	v8 =	vtrunc.f32 v9  }
0x1b: {  	s26 =	simm.s32 $0x0;
	s25 =	rddreg [dreg:$0x5];
	v8 =	vcvt.f32.s32 v8;
	v9 =	vadd.s32 $0xFFFFFFFF, v7;
	v10 =	vadd.s32 $0xFFFFFFFF, v10  }
.LBB2_2:
0x1c: {  	s0 =	sshll.u32 s26, $0x2  }
0x1d: {  	s0 =	sadd.s32 s8, s0  }
0x1e: {  	s28 =	sshll.u32 s0, $0x5  }
0x1f: {  	s2 =	simm.s32 $0x0;
	s1 =	sadd.s32 s6, s28  }
0x20: {  	[tilespmem:s12], [sflag:$0x2] =	stream.linear.gather [hbm4b:s1+s2], $0x400, $0x38;
	[tilespmem:$0x11A30] =	vst v63  }
0x21: {  	_ =	swait.ge [sflag:s11], $0x400  }
0x22: {  	[sflag:s11] =	ssyncset.done $0x0  }
0x23: {  	[sflag:s11] =	ssyncadd.s32 $0xFFFFFC00  }
0x24: {  	s0 =	sshll.u32 s0, $0x4;
	s4 =	rddreg [dreg:$0x1]  }
0x25: {  	s9 =	simm.s32 $0x430;
	s0 =	sadd.s32 s4, s0  }
0x26: {  	[tilespmem:s9], [sflag:$0x2] =	stream.linear.gather [hbm4b:s0+s2], $0x200, $0x38;
	[tilespmem:$0x11A30] =	vst v63  }
0x27: {  	s10 =	simm.s32 $0x0;
	s0 =	sand.u32 $0x7, s2;
	_ =	swait.ge [sflag:s11], $0x200  }
0x28: {  	s1 =	sand.u32 $0x3FFFFF80, s10;
	s2 =	sshll.u32 s0, $0x4;
	[sflag:s11] =	ssyncset.done $0x0  }
0x29: {  	s1 =	sor.u32 s2, s1;
	[sflag:s11] =	ssyncadd.s32 $0xFFFFFE00  }
0x2a: {  	v11 =	vld [tilespmem:s1+$0x430];
	_ =	sdelay $0x4  }
0x2b: {  	v12 =	vperm.xlane v11, v1;
	_ =	sdelay $0x1  }
0x2c: {  	v12 =	vmax.f32 v11, v12  }
0x2d: {  	v13 =	vperm.xlane v12, v2;
	_ =	sdelay $0x1  }
0x2e: {  	s13 =	simm.s32 $0x0;
	v12 =	vmax.f32 v12, v13  }
0x2f: {  	s15 =	sshll.u32 s0, $0x5;
	s1 =	sand.u32 $0xFFFFFF00, s13;
	v13 =	vperm.xlane v12, v3  }
0x30: {  	s1 =	sor.u32 s15, s1  }
0x31: {  	v12 =	vmax.f32 v12, v13;
	v13 =	vor.u32 s1, v0;
	_ =	sdelay $0x1  }
0x32: {  	v14 =	vperm.xlane v12, v4  }
0x33: {  	v15 =	vor.u32 s1, v5  }
0x34: {  	v12 =	vmax.f32 v12, v14  }
0x35: {  	v11 =	vsub.f32 v11, v12;
	v12 =	vld.idx.msk [tilespmem:v13+s12+$0x0], $0xffff;
	_ =	sdelay $0x1  }
0x36: {  	v11 =	vmul.f32 $1.442695020e+00, v11  }
0x37: {  	v13 =	vld.idx.msk [tilespmem:v15+s12+$0x0], $0xffff  }
0x38: {  	(erf) = vpow2.f32 v11  }
0x39: {  	v11 =	vtrunc.f32 v12  }
0x3a: {  	v14 =	vcvt.f32.s32 v11;
	vm0 =	vlt.f32 v12, v11  }
0x3b: {  	v11 =	vsel vm0, $0xFFFFFFFF, v6  }
0x3c: {  	v15 =	vtrunc.f32 v13;
	v14 =	vadd.s32 v14, v11  }
0x3d: {  	vm0 =	vlt.f32 v13, v15;
	v11 =	vcvt.s32.f32 v14  }
0x3e: {  	v16 =	vcvt.f32.s32 v15;
	v15 =	vsel vm0, $0xFFFFFFFF, v6  }
0x3f: {  	vm1 =	vgt.s32 v14, $0xFFFFFFFF;
	vm0 =	vle.s32 v14, v9;
	v17 =	vadd.s32 $0x1, v14  }
0x40: {  	vm3 =	vgt.s32 v14, $0x0;
	v16 =	vadd.s32 v16, v15;
	vm4 =	vgt.s32 v17, $0xFFFFFFFF  }
0x41: {  	vm2 =	vgt.s32 v17, $0x0;
	v15 =	vcvt.s32.f32 v16;
	v12 =	vsub.f32 v12, v11;
	v11 =	vpop (erf)  }
0x42: {  	vm5 =	vle.s32 v17, v9;
	vm1 =	vmand vm1, vm0;
	v18 =	vperm.xlane v11, v1  }
0x43: {  	v20 =	vnsel vm3, $0x0, v14;
	vm6 =	vgt.s32 v16, $0x0;
	vm3 =	vle.s32 v16, v10  }
0x44: {  	v17 =	vnsel vm2, $0x0, v17;
	vm2 =	vgt.s32 v16, $0xFFFFFFFF;
	v18 =	vadd.f32 v11, v18  }
0x45: {  	v23 =	vnsel vm6, $0x0, v16;
	vm6 =	vlt.s32 v9, v20;
	vm4 =	vmand vm4, vm5  }
0x46: {  	vm0 =	vlt.s32 v9, v17;
	v15 =	vsub.f32 v13, v15;
	v21 =	vperm.xlane v18, v2  }
0x47: {  	v13 =	vadd.s32 $0x1, v16;
	vm8 =	vlt.s32 v10, v23;
	v20 =	vsel vm6, v9, v20  }
0x48: {  	v14 =	vsel vm0, v9, v17;
	vm7 =	vgt.s32 v13, $0x0;
	v17 =	vadd.f32 v18, v21  }
0x49: {  	v19 =	vsub.f32 $1.000000000e+00, v12;
	vm0 =	vmand vm1, vm2;
	v22 =	vnsel vm7, $0x0, v13  }
0x4a: {  	v20 =	vadd.s32 v8, v20;
	vm7 =	vlt.s32 v10, v22;
	v21 =	vperm.xlane v17, v3  }
0x4b: {  	s30 =	simm.s32 $0xE50;
	s3 =	simm.s32 $0x650;
	s31 =	simm.s32 $0x1;
	v23 =	vsel vm8, v10, v23;
	v22 =	vsel vm7, v10, v22;
	v18 =	vsub.f32 $1.000000000e+00, v15  }
0x4c: {  	s16 =	simm.s32 $0x10;
	s29 =	simm.s32 $0x690;
	s10 =	sand.u32 $0x7, s31;
	v14 =	vadd.s32 v8, v14;
	v22 =	vmul.u32 v7, v22;
	v21 =	vadd.f32 v17, v21  }
0x4d: {  	s4 =	simm.s32 $0xE50;
	s9 =	simm.s32 $0x2;
	s2 =	sshll.u32 s10, $0x4;
	vm0 =	vmand vm3, vm0;
	v16 =	vmul.f32 v18, v19;
	v17 =	vmul.f32 v18, v12  }
0x4e: {  	s13 =	sshll.u32 s10, $0x5;
	s15 =	sadd.s32 $0x0, s25;
	s1 =	sand.u32 $0x3FFFFF80, s16;
	v18 =	vmul.f32 v19, v15;
	v19 =	vadd.s32 v22, v20;
	v24 =	vperm.xlane v21, v4  }
.LBB2_3:
0x4f: {  	s2 =	sor.u32 s2, s1  }
0x50: {  	v21 =	vadd.f32 v21, v24;
	vm2 =	vmand vm2, vm4;
	v22 =	vadd.s32 v22, v14;
	s30 =	sadd.s32 $0x40, s30;
	s1 =	smov.u32 s9;
	s16 =	sadd.s32 $0x1, s9  }
0x51: {  	p0 =	sne.s32 s9, $0x1F;
	p1 =	slt.u32 s15, $0xF008;
	s9 =	simm.s32 $0x0;
	vm2 =	vmand vm3, vm2;
	vm3 =	vgt.s32 v13, $0xFFFFFFFF;
	v22 =	vshll.u32 v22, $0x3  }
0x52: {  	s9 =	simm.s32 @!p1 $0xF008;
	vm1 =	vmand vm1, vm3;
	vm3 =	vmand vm4, vm3;
	(erf) = vrcp.f32 v21  }
0x53: {  	v12 =	vmul.f32 v15, v12;
	s9 =	sor.u32 s0, s9;
	s0 =	smov.u32 s10  }
0x54: {  	v15 =	vadd.s32 s9, v22;
	_ =	sdelay $0x1  }
0x55: {  	v21 =	vmul.u32 v7, v23;
	_ =	sdelay $0x1  }
0x56: {  	v20 =	vadd.s32 v21, v20;
	v14 =	vadd.s32 v21, v14  }
0x57: {  	vm4 =	vle.s32 v13, v10;
	v13 =	vshll.u32 v19, $0x3;
	v21 =	vshll.u32 v20, $0x3  }
0x58: {  	vm1 =	vmand vm4, vm1;
	v13 =	vadd.s32 s9, v13  }
0x59: {  	v14 =	vshll.u32 v14, $0x3;
	v19 =	vadd.s32 s9, v21;
	v20 =	vpop (erf)  }
0x5a: {  	vm3 =	vmand vm4, vm3;
	v14 =	vadd.s32 s9, v14;
	v11 =	vmul.f32 v20, v11;
	[tilespmem:s3+$0xFFFFFFE0] =	vst v19;
	_ =	sdelay $0x1  }
0x5b: {  	v16 =	vmul.f32 v16, v11;
	v17 =	vmul.f32 v17, v11  }
0x5c: {  	v18 =	vmul.f32 v18, v11;
	v11 =	vmul.f32 v12, v11  }
0x5d: {  	v12 =	vnsel vm0, $0x0, v16;
	v16 =	vnsel vm2, $0x0, v17  }
0x5e: {  	v11 =	vnsel vm3, $0x0, v11;
	[tilespmem:s4+$0xFFFFFFE0] =	vst v12;
	v12 =	vnsel vm1, $0x0, v18  }
0x5f: {  	[tilespmem:s3+$0xFFFFFFF0] =	vst v14  }
0x60: {  	[tilespmem:s4+$0xFFFFFFF0] =	vst v16  }
0x61: {  	[tilespmem:s3+$0x0] =	vst v13  }
0x62: {  	[tilespmem:s4+$0x0] =	vst v12  }
0x63: {  	[tilespmem:s3+$0x10] =	vst v15;
	s3 =	smov.u32 s29  }
0x64: {  	[tilespmem:s4+$0x10] =	vst v11;
	s4 =	smov.u32 s30  }
0x65: {  	v11 =	vld [tilespmem:s2+$0x430];
	_ =	sdelay $0x4  }
0x66: {  	v12 =	vperm.xlane v11, v1;
	_ =	sdelay $0x1  }
0x67: {  	v12 =	vmax.f32 v11, v12  }
0x68: {  	v13 =	vperm.xlane v12, v2;
	_ =	sdelay $0x1  }
0x69: {  	s2 =	sshll.u32 s31, $0x5;
	v12 =	vmax.f32 v12, v13  }
0x6a: {  	s2 =	sand.u32 $0xFFFFFF00, s2;
	v13 =	vperm.xlane v12, v3  }
0x6b: {  	s2 =	sor.u32 s13, s2  }
0x6c: {  	v14 =	vor.u32 s2, v5;
	v12 =	vmax.f32 v12, v13;
	v13 =	vor.u32 s2, v0  }
0x6d: {  	v15 =	vperm.xlane v12, v4;
	_ =	sdelay $0x1  }
0x6e: {  	v12 =	vmax.f32 v12, v15  }
0x6f: {  	v11 =	vsub.f32 v11, v12  }
0x70: {  	v12 =	vld.idx.msk [tilespmem:v13+s12+$0x0], $0xffff  }
0x71: {  	v11 =	vmul.f32 $1.442695020e+00, v11;
	v13 =	vld.idx.msk [tilespmem:v14+s12+$0x0], $0xffff;
	_ =	sdelay $0x1  }
0x72: {  	(erf) = vpow2.f32 v11;
	_ =	sdelay $0x2  }
0x73: {  	v11 =	vtrunc.f32 v12  }
0x74: {  	v14 =	vcvt.f32.s32 v11;
	vm0 =	vlt.f32 v12, v11  }
0x75: {  	v15 =	vtrunc.f32 v13;
	v11 =	vsel vm0, $0xFFFFFFFF, v6  }
0x76: {  	v16 =	vcvt.f32.s32 v15;
	v14 =	vadd.s32 v14, v11  }
0x77: {  	vm0 =	vlt.f32 v13, v15;
	v18 =	vcvt.s32.f32 v14;
	vm1 =	vgt.s32 v14, $0xFFFFFFFF  }
0x78: {  	v15 =	vsel vm0, $0xFFFFFFFF, v6;
	vm0 =	vle.s32 v14, v9;
	v17 =	vadd.s32 $0x1, v14  }
0x79: {  	vm3 =	vgt.s32 v14, $0x0;
	vm4 =	vgt.s32 v17, $0xFFFFFFFF;
	v12 =	vsub.f32 v12, v18;
	v11 =	vpop (erf)  }
0x7a: {  	v16 =	vadd.s32 v16, v15;
	vm2 =	vgt.s32 v17, $0x0;
	v18 =	vperm.xlane v11, v1  }
0x7b: {  	v15 =	vcvt.s32.f32 v16;
	vm5 =	vle.s32 v17, v9;
	v19 =	vsub.f32 $1.000000000e+00, v12  }
0x7c: {  	vm1 =	vmand vm1, vm0;
	v17 =	vnsel vm2, $0x0, v17;
	v18 =	vadd.f32 v11, v18  }
0x7d: {  	v20 =	vnsel vm3, $0x0, v14;
	vm2 =	vgt.s32 v16, $0xFFFFFFFF;
	vm0 =	vlt.s32 v9, v17  }
0x7e: {  	vm6 =	vgt.s32 v16, $0x0;
	v14 =	vsel vm0, v9, v17;
	v21 =	vperm.xlane v18, v2  }
0x7f: {  	v15 =	vsub.f32 v13, v15;
	v13 =	vadd.s32 $0x1, v16;
	v14 =	vadd.s32 v8, v14  }
0x80: {  	vm0 =	vmand vm1, vm2;
	vm7 =	vgt.s32 v13, $0x0;
	v17 =	vadd.f32 v18, v21  }
0x81: {  	vm3 =	vle.s32 v16, v10;
	v22 =	vnsel vm7, $0x0, v13;
	v18 =	vsub.f32 $1.000000000e+00, v15  }
0x82: {  	v23 =	vnsel vm6, $0x0, v16;
	vm0 =	vmand vm3, vm0;
	v21 =	vperm.xlane v17, v3  }
.Ltmp0:
0x83: {  	vm6 =	vlt.s32 v9, v20;
	vm7 =	vlt.s32 v10, v22;
	v16 =	vmul.f32 v18, v19;
	(pc) =	sbr.rel @p0 .LBB2_3-.Ltmp0, $4  }
0x84: {  	vm8 =	vlt.s32 v10, v23;
	v22 =	vsel vm7, v10, v22;
	v21 =	vadd.f32 v17, v21  }
0x85: {  	s15 =	sadd.s32 s31, s25;
	s9 =	smov.u32 s16;
	s31 =	smov.u32 s1;
	v20 =	vsel vm6, v9, v20;
	v22 =	vmul.u32 v7, v22;
	v17 =	vmul.f32 v18, v12  }
0x86: {  	s29 =	sadd.s32 $0x40, s29;
	s10 =	sand.u32 $0x7, s31;
	s1 =	sshll.u32 s31, $0x4;
	v20 =	vadd.s32 v8, v20;
	v18 =	vmul.f32 v19, v15;
	v24 =	vperm.xlane v21, v4  }
0x87: {  	s1 =	sand.u32 $0x3FFFFF80, s1;
	s13 =	sshll.u32 s10, $0x5;
	s2 =	sshll.u32 s10, $0x4;
	vm4 =	vmand vm4, vm5;
	v23 =	vsel vm8, v10, v23;
	v19 =	vadd.s32 v22, v20  }
0x88: {  	v21 =	vadd.f32 v21, v24;
	_ =	sdelay $0x1  }
0x89: {  	(erf) = vrcp.f32 v21;
	_ =	sdelay $0x8  }
0x8a: {  	v25 =	vmul.u32 v7, v23;
	v26 =	vpop (erf)  }
0x8b: {  	vm2 =	vmand vm2, vm4;
	p0 =	slt.u32 s15, $0xF008;
	s9 =	simm.s32 $0x0;
	v11 =	vmul.f32 v26, v11  }
0x8c: {  	v22 =	vadd.s32 v22, v14;
	vm14 =	vgt.s32 v13, $0xFFFFFFFF;
	s9 =	simm.s32 @!p0 $0xF008;
	v20 =	vadd.s32 v25, v20  }
0x8d: {  	v12 =	vmul.f32 v15, v12;
	s0 =	sor.u32 s0, s9;
	v20 =	vshll.u32 v20, $0x3;
	v16 =	vmul.f32 v16, v11  }
0x8e: {  	vm15 =	vle.s32 v13, v10;
	v27 =	vadd.s32 v25, v14;
	v20 =	vadd.s32 s0, v20  }
0x8f: {  	v14 =	vshll.u32 v27, $0x3;
	[tilespmem:s3+$0xFFFFFFE0] =	vst v20;
	v17 =	vmul.f32 v17, v11;
	v16 =	vnsel vm0, $0x0, v16  }
0x90: {  	v29 =	vshll.u32 v19, $0x3;
	vm2 =	vmand vm3, vm2;
	v28 =	vadd.s32 s0, v14;
	[tilespmem:s4+$0xFFFFFFE0] =	vst v16  }
0x91: {  	vm1 =	vmand vm1, vm14;
	v30 =	vmul.f32 v18, v11;
	v31 =	vnsel vm2, $0x0, v17;
	[tilespmem:s3+$0xFFFFFFF0] =	vst v28  }
0x92: {  	v32 =	vshll.u32 v22, $0x3;
	vm1 =	vmand vm15, vm1;
	v14 =	vadd.s32 s0, v29;
	[tilespmem:s4+$0xFFFFFFF0] =	vst v31  }
0x93: {  	vm5 =	vmand vm4, vm14;
	v11 =	vmul.f32 v12, v11;
	v33 =	vnsel vm1, $0x0, v30;
	[tilespmem:s3+$0x0] =	vst v14  }
0x94: {  	v13 =	vadd.s32 s0, v32;
	vm0 =	vmand vm15, vm5;
	[tilespmem:s4+$0x0] =	vst v33  }
0x95: {  	v11 =	vnsel vm0, $0x0, v11;
	[tilespmem:s3+$0x10] =	vst v13  }
0x96: {  	s3 =	sor.u32 s2, s1;
	[tilespmem:s4+$0x10] =	vst v11  }
0x97: {  	v11 =	vld [tilespmem:s3+$0x430];
	_ =	sdelay $0x4  }
0x98: {  	v34 =	vperm.xlane v11, v1;
	_ =	sdelay $0x1  }
0x99: {  	v12 =	vmax.f32 v11, v34  }
0x9a: {  	v35 =	vperm.xlane v12, v2;
	_ =	sdelay $0x1  }
0x9b: {  	v12 =	vmax.f32 v12, v35  }
0x9c: {  	v13 =	vperm.xlane v12, v3;
	_ =	sdelay $0x1  }
0x9d: {  	v12 =	vmax.f32 v12, v13  }
0x9e: {  	v13 =	vperm.xlane v12, v4;
	_ =	sdelay $0x1  }
0x9f: {  	v12 =	vmax.f32 v12, v13  }
0xa0: {  	v11 =	vsub.f32 v11, v12;
	_ =	sdelay $0x1  }
0xa1: {  	v11 =	vmul.f32 $1.442695020e+00, v11;
	_ =	sdelay $0x1  }
0xa2: {  	(erf) = vpow2.f32 v11;
	_ =	sdelay $0x2  }
0xa3: {  	s9 =	sshll.u32 s31, $0x5  }
0xa4: {  	s0 =	sand.u32 $0xFFFFFF00, s9  }
0xa5: {  	s0 =	sor.u32 s13, s0  }
0xa6: {  	v36 =	vor.u32 s0, v5  }
0xa7: {  	v11 =	vor.u32 s0, v0;
	_ =	sdelay $0x1  }
0xa8: {  	v37 =	vpop (erf)  }
0xa9: {  	v38 =	vperm.xlane v37, v1  }
0xaa: {  	v12 =	vld.idx.msk [tilespmem:v36+s12+$0x0], $0xffff  }
0xab: {  	v11 =	vld.idx.msk [tilespmem:v11+s12+$0x0], $0xffff;
	v14 =	vadd.f32 v37, v38;
	_ =	sdelay $0x1  }
0xac: {  	v39 =	vperm.xlane v14, v2;
	_ =	sdelay $0x1  }
0xad: {  	v14 =	vadd.f32 v14, v39  }
0xae: {  	v42 =	vtrunc.f32 v12;
	v40 =	vtrunc.f32 v11  }
0xaf: {  	v41 =	vcvt.f32.s32 v40;
	vm6 =	vlt.f32 v11, v40;
	v43 =	vperm.xlane v14, v3  }
0xb0: {  	v44 =	vcvt.f32.s32 v42;
	vm7 =	vlt.f32 v12, v42;
	v16 =	vsel vm6, $0xFFFFFFFF, v6  }
0xb1: {  	v17 =	vsel vm7, $0xFFFFFFFF, v6;
	v15 =	vadd.s32 v41, v16;
	v14 =	vadd.f32 v14, v43  }
0xb2: {  	v16 =	vadd.s32 v44, v17;
	v45 =	vcvt.s32.f32 v15;
	vm8 =	vgt.s32 v15, $0xFFFFFFFF  }
0xb3: {  	vm9 =	vle.s32 v15, v9;
	v46 =	vadd.s32 $0x1, v15;
	v47 =	vperm.xlane v14, v4  }
0xb4: {  	vm10 =	vgt.s32 v15, $0x0;
	v17 =	vcvt.s32.f32 v16;
	vm4 =	vgt.s32 v16, $0xFFFFFFFF  }
0xb5: {  	vm13 =	vgt.s32 v16, $0x0;
	v51 =	vadd.s32 $0x1, v16;
	v14 =	vadd.f32 v14, v47  }
0xb6: {  	vm7 =	vle.s32 v16, v10;
	vm1 =	vgt.s32 v46, $0xFFFFFFFF;
	vm11 =	vgt.s32 v46, $0x0  }
0xb7: {  	vm5 =	vle.s32 v46, v9;
	vm0 =	vmand vm8, vm9;
	(erf) = vrcp.f32 v14  }
0xb8: {  	v49 =	vnsel vm10, $0x0, v15;
	vm6 =	vgt.s32 v51, $0x0;
	v16 =	vnsel vm13, $0x0, v16  }
0xb9: {  	vm13 =	vgt.s32 v51, $0xFFFFFFFF;
	v11 =	vsub.f32 v11, v45;
	v18 =	vnsel vm11, $0x0, v46  }
0xba: {  	v12 =	vsub.f32 v12, v17;
	vm14 =	vmand vm0, vm4;
	v53 =	vnsel vm6, $0x0, v51  }
0xbb: {  	vm15 =	vlt.s32 v9, v49;
	vm8 =	vlt.s32 v10, v16;
	vm1 =	vmand vm1, vm5  }
0xbc: {  	vm0 =	vmand vm0, vm13;
	vm12 =	vlt.s32 v9, v18;
	vm2 =	vmand vm7, vm14  }
0xbd: {  	vm6 =	vlt.s32 v10, v53;
	v16 =	vsel vm8, v10, v16;
	vm14 =	vle.s32 v51, v10  }
0xbe: {  	v48 =	vsub.f32 $1.000000000e+00, v11;
	v50 =	vsel vm12, v9, v18;
	v52 =	vsub.f32 $1.000000000e+00, v12  }
0xbf: {  	v20 =	vsel vm6, v10, v53;
	v16 =	vmul.u32 v7, v16;
	vm12 =	vmand vm4, vm1  }
0xc0: {  	s15 =	sadd.s32 s31, s25;
	v15 =	vadd.s32 v8, v50;
	v20 =	vmul.u32 v7, v20;
	v14 =	vsel vm15, v9, v49;
	v55 =	vpop (erf)  }
0xc1: {  	p0 =	slt.u32 s15, $0xF008;
	s0 =	simm.s32 $0x0;
	v54 =	vmul.f32 v52, v48;
	v14 =	vadd.s32 v8, v14;
	v13 =	vmul.f32 v55, v37  }
0xc2: {  	s0 =	simm.s32 @!p0 $0xF008;
	v18 =	vmul.f32 v52, v11;
	v56 =	vadd.s32 v20, v14;
	v14 =	vadd.s32 v16, v14  }
0xc3: {  	s0 =	sor.u32 s10, s0;
	v19 =	vmul.f32 v48, v12;
	v14 =	vshll.u32 v14, $0x3;
	v21 =	vmul.f32 v54, v13  }
0xc4: {  	v20 =	vadd.s32 v20, v15;
	v15 =	vadd.s32 v16, v15;
	v14 =	vadd.s32 s0, v14  }
0xc5: {  	s16 =	sadd.s32 $0x40, s30;
	v15 =	vshll.u32 v15, $0x3;
	[tilespmem:s29+$0xFFFFFFE0] =	vst v14;
	v57 =	vmul.f32 v18, v13;
	v58 =	vnsel vm2, $0x0, v21  }
0xc6: {  	vm3 =	vmand vm7, vm12;
	v11 =	vmul.f32 v12, v11;
	v59 =	vadd.s32 s0, v15;
	[tilespmem:s16+$0xFFFFFFE0] =	vst v58  }
0xc7: {  	v60 =	vshll.u32 v56, $0x3;
	v61 =	vmul.f32 v19, v13;
	v14 =	vnsel vm3, $0x0, v57;
	[tilespmem:s29+$0xFFFFFFF0] =	vst v59  }
0xc8: {  	vm0 =	vmand vm14, vm0;
	vm1 =	vmand vm1, vm13;
	v15 =	vadd.s32 s0, v60;
	[tilespmem:s16+$0xFFFFFFF0] =	vst v14  }
0xc9: {  	v62 =	vshll.u32 v20, $0x3;
	v11 =	vmul.f32 v11, v13;
	v63 =	vnsel vm0, $0x0, v61;
	[tilespmem:s29+$0x0] =	vst v15  }
0xca: {  	vm15 =	vmand vm14, vm1;
	v12 =	vadd.s32 s0, v62;
	[tilespmem:s16+$0x0] =	vst v63  }
0xcb: {  	v11 =	vnsel vm15, $0x0, v11;
	[tilespmem:s29+$0x10] =	vst v12  }
0xcc: {  	s30 =	simm.s32 $0x630;
	s31 =	simm.s32 $0x1630;
	[tilespmem:s16+$0x10] =	vst v11  }
0xcd: {  	[tilespmem:s31], [sflag:$0x1] =	stream.indirect.gather [hbm4b:s5+s14], $0x20, s30, s14, $0xb8;
	[tilespmem:$0x11A30] =	vst v63  }
0xce: {  	s1 =	simm.s32 $0x6B0;
	s2 =	simm.s32 $0x2630  }
0xcf: {  	[tilespmem:s2], [sflag:$0x1] =	stream.indirect.gather [hbm4b:s5+s14], $0x20, s1, s14, $0xb8;
	[tilespmem:$0x11A30] =	vst v63  }
0xd0: {  	s4 =	simm.s32 $0x3630;
	s3 =	simm.s32 $0x730  }
0xd1: {  	[tilespmem:s4], [sflag:$0x1] =	stream.indirect.gather [hbm4b:s5+s14], $0x20, s3, s14, $0xb8;
	[tilespmem:$0x11A30] =	vst v63  }
0xd2: {  	s9 =	simm.s32 $0x7B0;
	s10 =	simm.s32 $0x4630  }
0xd3: {  	[tilespmem:s10], [sflag:$0x1] =	stream.indirect.gather [hbm4b:s5+s14], $0x20, s9, s14, $0xb8;
	[tilespmem:$0x11A30] =	vst v63  }
0xd4: {  	s15 =	simm.s32 $0x5630;
	s13 =	simm.s32 $0x830  }
0xd5: {  	[tilespmem:s15], [sflag:$0x1] =	stream.indirect.gather [hbm4b:s5+s14], $0x20, s13, s14, $0xb8;
	[tilespmem:$0x11A30] =	vst v63  }
0xd6: {  	s29 =	simm.s32 $0x6630;
	s16 =	simm.s32 $0x8B0  }
0xd7: {  	[tilespmem:s29], [sflag:$0x1] =	stream.indirect.gather [hbm4b:s5+s14], $0x20, s16, s14, $0xb8;
	[tilespmem:$0x11A30] =	vst v63  }
0xd8: {  	s30 =	simm.s32 $0x930;
	s31 =	simm.s32 $0x7630  }
0xd9: {  	[tilespmem:s31], [sflag:$0x1] =	stream.indirect.gather [hbm4b:s5+s14], $0x20, s30, s14, $0xb8;
	[tilespmem:$0x11A30] =	vst v63  }
0xda: {  	s1 =	simm.s32 $0x9B0;
	s2 =	simm.s32 $0x8630  }
0xdb: {  	[tilespmem:s2], [sflag:$0x1] =	stream.indirect.gather [hbm4b:s5+s14], $0x20, s1, s14, $0xb8;
	[tilespmem:$0x11A30] =	vst v63  }
0xdc: {  	s3 =	simm.s32 $0xA30;
	s4 =	simm.s32 $0x9630  }
0xdd: {  	[tilespmem:s4], [sflag:$0x1] =	stream.indirect.gather [hbm4b:s5+s14], $0x20, s3, s14, $0xb8;
	[tilespmem:$0x11A30] =	vst v63  }
0xde: {  	s9 =	simm.s32 $0xAB0;
	s10 =	simm.s32 $0xA630  }
0xdf: {  	[tilespmem:s10], [sflag:$0x1] =	stream.indirect.gather [hbm4b:s5+s14], $0x20, s9, s14, $0xb8;
	[tilespmem:$0x11A30] =	vst v63  }
0xe0: {  	s13 =	simm.s32 $0xB30;
	s15 =	simm.s32 $0xB630  }
0xe1: {  	[tilespmem:s15], [sflag:$0x1] =	stream.indirect.gather [hbm4b:s5+s14], $0x20, s13, s14, $0xb8;
	[tilespmem:$0x11A30] =	vst v63  }
0xe2: {  	s16 =	simm.s32 $0xBB0;
	s29 =	simm.s32 $0xC630  }
0xe3: {  	[tilespmem:s29], [sflag:$0x1] =	stream.indirect.gather [hbm4b:s5+s14], $0x20, s16, s14, $0xb8;
	[tilespmem:$0x11A30] =	vst v63  }
0xe4: {  	s30 =	simm.s32 $0xC30;
	s31 =	simm.s32 $0xD630  }
0xe5: {  	[tilespmem:s31], [sflag:$0x1] =	stream.indirect.gather [hbm4b:s5+s14], $0x20, s30, s14, $0xb8;
	[tilespmem:$0x11A30] =	vst v63  }
0xe6: {  	_ = 	snop  }
0xe7: {  	[tilespmem:s18], [sflag:$0x1] =	stream.indirect.gather [hbm4b:s5+s14], $0x20, s17, s14, $0xb8;
	[tilespmem:$0x11A30] =	vst v63  }
0xe8: {  	_ = 	snop  }
0xe9: {  	[tilespmem:s20], [sflag:$0x1] =	stream.indirect.gather [hbm4b:s5+s14], $0x20, s19, s14, $0xb8;
	[tilespmem:$0x11A30] =	vst v63  }
0xea: {  	_ = 	snop  }
0xeb: {  	[tilespmem:s22], [sflag:$0x1] =	stream.indirect.gather [hbm4b:s5+s14], $0x20, s21, s14, $0xb8;
	[tilespmem:$0x11A30] =	vst v63  }
0xec: {  	_ =	swait.ge [sflag:s23], $0x1000  }
0xed: {  	[sflag:s23] =	ssyncset.done $0x0  }
0xee: {  	[sflag:s23] =	ssyncadd.s32 $0xFFFFF000  }
0xef: {  	_ =	swait.ge [sflag:s23], $0x1000  }
0xf0: {  	[sflag:s23] =	ssyncset.done $0x0  }
0xf1: {  	[sflag:s23] =	ssyncadd.s32 $0xFFFFF000  }
0xf2: {  	_ =	swait.ge [sflag:s23], $0x1000  }
0xf3: {  	[sflag:s23] =	ssyncset.done $0x0  }
0xf4: {  	[sflag:s23] =	ssyncadd.s32 $0xFFFFF000  }
0xf5: {  	_ =	swait.ge [sflag:s23], $0x1000  }
0xf6: {  	[sflag:s23] =	ssyncset.done $0x0  }
0xf7: {  	[sflag:s23] =	ssyncadd.s32 $0xFFFFF000  }
0xf8: {  	_ =	swait.ge [sflag:s23], $0x1000  }
0xf9: {  	[sflag:s23] =	ssyncset.done $0x0  }
0xfa: {  	[sflag:s23] =	ssyncadd.s32 $0xFFFFF000  }
0xfb: {  	_ =	swait.ge [sflag:s23], $0x1000  }
0xfc: {  	[sflag:s23] =	ssyncset.done $0x0  }
0xfd: {  	[sflag:s23] =	ssyncadd.s32 $0xFFFFF000  }
0xfe: {  	_ =	swait.ge [sflag:s23], $0x1000  }
0xff: {  	[sflag:s23] =	ssyncset.done $0x0  }
0x100: {  	[sflag:s23] =	ssyncadd.s32 $0xFFFFF000  }
0x101: {  	_ =	swait.ge [sflag:s23], $0x1000  }
0x102: {  	[sflag:s23] =	ssyncset.done $0x0  }
0x103: {  	[sflag:s23] =	ssyncadd.s32 $0xFFFFF000  }
0x104: {  	_ =	swait.ge [sflag:s23], $0x1000  }
0x105: {  	[sflag:s23] =	ssyncset.done $0x0  }
0x106: {  	[sflag:s23] =	ssyncadd.s32 $0xFFFFF000  }
0x107: {  	_ =	swait.ge [sflag:s23], $0x1000  }
0x108: {  	[sflag:s23] =	ssyncset.done $0x0  }
0x109: {  	[sflag:s23] =	ssyncadd.s32 $0xFFFFF000  }
0x10a: {  	_ =	swait.ge [sflag:s23], $0x1000  }
0x10b: {  	[sflag:s23] =	ssyncset.done $0x0  }
0x10c: {  	[sflag:s23] =	ssyncadd.s32 $0xFFFFF000  }
0x10d: {  	_ =	swait.ge [sflag:s23], $0x1000  }
0x10e: {  	[sflag:s23] =	ssyncset.done $0x0  }
0x10f: {  	[sflag:s23] =	ssyncadd.s32 $0xFFFFF000  }
0x110: {  	_ =	swait.ge [sflag:s23], $0x1000  }
0x111: {  	[sflag:s23] =	ssyncset.done $0x0  }
0x112: {  	[sflag:s23] =	ssyncadd.s32 $0xFFFFF000  }
0x113: {  	_ =	swait.ge [sflag:s23], $0x1000  }
0x114: {  	[sflag:s23] =	ssyncset.done $0x0  }
0x115: {  	[sflag:s23] =	ssyncadd.s32 $0xFFFFF000  }
0x116: {  	_ =	swait.ge [sflag:s23], $0x1000  }
0x117: {  	[sflag:s23] =	ssyncset.done $0x0  }
0x118: {  	[sflag:s23] =	ssyncadd.s32 $0xFFFFF000  }
0x119: {  	_ =	swait.ge [sflag:s23], $0x1000  }
0x11a: {  	s0 =	simm.s32 $0x0;
	[sflag:s23] =	ssyncset.done $0x0  }
0x11b: {  	s1 =	simm.s32 $0x1A30;
	s3 =	simm.s32 $0x0;
	[sflag:s23] =	ssyncadd.s32 $0xFFFFF000  }
.LBB2_5:
0x11c: {  	s2 =	sshll.u32 s3, $0x6  }
0x11d: {  	s4 =	sand.u32 $0x780, s2  }
0x11e: {  	s9 =	sand.u32 $0x40, s2;
	s10 =	sor.u32 $0x10, s2;
	s4 =	sadd.s32 $0xE30, s4  }
0x11f: {  	v17 =	vld [tilespmem:s1+$0xFFFFFC20];
	s13 =	sor.u32 $0x20, s2;
	s10 =	sand.u32 $0x50, s10;
	s9 =	sor.u32 s9, s4  }
0x120: {  	s2 =	sor.u32 $0x30, s2;
	s29 =	sand.u32 $0x60, s13;
	s16 =	sadd.s32 s10, s4;
	v11 =	vld [tilespmem:s9+$0x0]  }
0x121: {  	s2 =	sand.u32 $0x70, s2;
	s30 =	sadd.s32 s29, s4;
	v12 =	vld [tilespmem:s16+$0x0]  }
0x122: {  	s2 =	sadd.s32 s2, s4;
	v13 =	vld [tilespmem:s30+$0x0]  }
0x123: {  	v14 =	vld [tilespmem:s2+$0x0]  }
0x124: {  	v18 =	vld [tilespmem:s1+$0xFFFFFC30]  }
0x125: {  	v19 =	vld [tilespmem:s1+$0xFFFFFE20]  }
0x126: {  	v15 =	vmov s0;
	v26 =	vld [tilespmem:s1+$0xFFFFFC00]  }
0x127: {  	s31 =	simm.s32 $0x1;
	v27 =	vld [tilespmem:s1+$0xFFFFFC10];
	v25 =	vperm.xlane v11, v15;
	v28 =	vperm.xlane v12, v15  }
0x128: {  	v21 =	vld [tilespmem:s1+$0x20];
	v23 =	vperm.xlane v13, v15;
	v16 =	vperm.xlane v14, v15;
	v15 =	vmov s31  }
0x129: {  	v22 =	vld [tilespmem:s1+$0x30];
	v24 =	vperm.xlane v11, v15  }
0x12a: {  	v20 =	vld [tilespmem:s1+$0xFFFFFE30];
	v30 =	vperm.xlane v12, v15;
	v34 =	vperm.xlane v13, v15  }
0x12b: {  	v33 =	vld [tilespmem:s1+$0xFFFFFE00];
	v15 =	vperm.xlane v14, v15;
	v39 =	vmul.f32 v26, v25  }
0x12c: {  	v37 =	vld [tilespmem:s1+$0xFFFFFE10];
	v40 =	vmul.f32 v27, v25;
	v27 =	vimm.f32 $0.0e+00;
	v31 =	vmul.f32 v17, v24  }
0x12d: {  	v35 =	vld [tilespmem:s1+$0x0];
	v25 =	vimm.f32 $0.0e+00;
	v32 =	vmul.f32 v18, v24;
	v29 =	vmul.f32 v19, v30  }
0x12e: {  	v26 =	vimm.f32 $0.0e+00;
	v24 =	vmul.f32 v21, v34;
	v22 =	vmul.f32 v22, v34;
	v34 =	vld [tilespmem:s1+$0x10]  }
0x12f: {  	v36 =	vld [tilespmem:s1+$0x200];
	v30 =	vmul.f32 v20, v30;
	v20 =	vimm.f32 $0.0e+00;
	v17 =	vimm.f32 $0.0e+00  }
0x130: {  	v38 =	vld [tilespmem:s1+$0x210];
	s4 =	smov.u32 s1;
	s9 =	simm.s32 $0x2;
	v18 =	vimm.f32 $0.0e+00;
	v21 =	vimm.f32 $0.0e+00;
	v19 =	vimm.f32 $0.0e+00  }
.LBB2_6:
0x131: {  	v41 =	vmov s9;
	p0 =	slt.u32 s9, $0xE;
	v33 =	vmul.f32 v33, v28;
	v28 =	vmul.f32 v37, v28;
	v37 =	vld [tilespmem:s4+$0x220]  }
0x132: {  	v20 =	vadd.f32 v39, v20;
	v27 =	vadd.f32 v40, v27;
	v35 =	vmul.f32 v35, v23;
	v39 =	vld [tilespmem:s4+$0x230];
	s4 =	sadd.s32 $0x40, s4  }
0x133: {  	v40 =	vld [tilespmem:s4+$0xFFFFFC20];
	v25 =	vadd.f32 v33, v25;
	v26 =	vadd.f32 v28, v26;
	v23 =	vmul.f32 v34, v23  }
0x134: {  	v34 =	vld [tilespmem:s4+$0xFFFFFC30];
	v28 =	vmul.f32 v36, v16;
	v20 =	vadd.f32 v31, v20;
	v27 =	vadd.f32 v32, v27  }
0x135: {  	v36 =	vld [tilespmem:s4+$0xFFFFFE20];
	v16 =	vmul.f32 v38, v16;
	v25 =	vadd.f32 v29, v25;
	v26 =	vadd.f32 v30, v26  }
0x136: {  	v17 =	vadd.f32 v35, v17;
	v18 =	vadd.f32 v23, v18;
	v30 =	vld [tilespmem:s4+$0xFFFFFE30];
	v23 =	vmul.f32 v37, v15  }
0x137: {  	v21 =	vadd.f32 v28, v21;
	v38 =	vld [tilespmem:s4+$0x20];
	v16 =	vadd.f32 v16, v19;
	v15 =	vmul.f32 v39, v15  }
0x138: {  	v42 =	vperm.xlane v11, v41;
	v17 =	vadd.f32 v24, v17;
	v18 =	vadd.f32 v22, v18;
	v39 =	vld [tilespmem:s4+$0x30]  }
0x139: {  	s2 =	sadd.s32 $0x1, s9;
	v28 =	vperm.xlane v12, v41;
	v21 =	vadd.f32 v23, v21;
	v43 =	vld [tilespmem:s4+$0xFFFFFC00];
	v19 =	vadd.f32 v15, v16  }
0x13a: {  	v23 =	vperm.xlane v13, v41;
	v16 =	vperm.xlane v14, v41;
	v15 =	vmov s2;
	v44 =	vld [tilespmem:s4+$0xFFFFFC10]  }
0x13b: {  	v22 =	vperm.xlane v11, v15;
	v24 =	vperm.xlane v12, v15;
	v33 =	vld [tilespmem:s4+$0xFFFFFE00]  }
.Ltmp1:
0x13c: {  	v41 =	vperm.xlane v13, v15;
	v15 =	vperm.xlane v14, v15;
	v37 =	vld [tilespmem:s4+$0xFFFFFE10];
	(pc) =	sbr.rel @p0 .LBB2_6-.Ltmp1, $4  }
0x13d: {  	v31 =	vmul.f32 v40, v22;
	v32 =	vmul.f32 v34, v22;
	v35 =	vld [tilespmem:s4+$0x0]  }
0x13e: {  	v29 =	vmul.f32 v36, v24;
	v30 =	vmul.f32 v30, v24;
	v34 =	vld [tilespmem:s4+$0x10]  }
0x13f: {  	v24 =	vmul.f32 v38, v41;
	v22 =	vmul.f32 v39, v41;
	v36 =	vld [tilespmem:s4+$0x200]  }
0x140: {  	s9 =	sadd.s32 $0x2, s9;
	v39 =	vmul.f32 v43, v42;
	v40 =	vmul.f32 v44, v42;
	v38 =	vld [tilespmem:s4+$0x210]  }
0x141: {  	v11 =	vmul.f32 v33, v28;
	v12 =	vmul.f32 v37, v28;
	v13 =	vld [tilespmem:s4+$0x220]  }
0x142: {  	v58 =	vld [tilespmem:s4+$0x230];
	v14 =	vadd.f32 v39, v20;
	v56 =	vadd.f32 v40, v27;
	v57 =	vmul.f32 v35, v23  }
0x143: {  	v11 =	vadd.f32 v11, v25;
	v12 =	vadd.f32 v12, v26;
	v59 =	vmul.f32 v34, v23  }
0x144: {  	v60 =	vmul.f32 v36, v16;
	v14 =	vadd.f32 v31, v14;
	v20 =	vadd.f32 v32, v56  }
0x145: {  	v17 =	vadd.f32 v57, v17;
	v61 =	vmul.f32 v38, v16;
	v11 =	vadd.f32 v29, v11  }
0x146: {  	v12 =	vadd.f32 v30, v12;
	v13 =	vmul.f32 v13, v15;
	v21 =	vadd.f32 v60, v21  }
0x147: {  	v18 =	vadd.f32 v59, v18;
	v62 =	vmul.f32 v58, v15;
	v16 =	vadd.f32 v61, v19  }
0x148: {  	v17 =	vadd.f32 v24, v17;
	v13 =	vadd.f32 v13, v21  }
0x149: {  	s2 =	sshll.u32 s3, $0x5;
	s3 =	sadd.s32 $0x1, s3;
	v18 =	vadd.f32 v22, v18;
	v15 =	vadd.f32 v62, v16  }
0x14a: {  	p0 =	sne.s32 s3, $0x20;
	v11 =	vadd.f32 v11, v14;
	v13 =	vadd.f32 v13, v17  }
.Ltmp2:
0x14b: {  	v12 =	vadd.f32 v12, v20;
	v63 =	vadd.f32 v15, v18;
	(pc) =	sbr.rel @p0 .LBB2_5-.Ltmp2, $4  }
0x14c: {  	v11 =	vadd.f32 v13, v11  }
0x14d: {  	s2 =	sand.u32 $0x3FFFFFE0, s2;
	v12 =	vadd.f32 v63, v12  }
0x14e: {  	[tilespmem:s2+$0x11630] =	vst v11  }
0x14f: {  	s1 =	sadd.s32 $0x800, s1;
	[tilespmem:s2+$0x11640] =	vst v12  }
0x150: {  	s26 =	sadd.s32 $0x1, s26  }
0x151: {  	p0 =	sne.s32 s26, $0x79  }
.Ltmp3:
0x152: {  	s0 =	sadd.s32 s7, s28;
	s1 =	simm.s32 $0x0;
	(pc) =	sbr.rel @p0 .LBB2_2-.Ltmp3, $4  }
0x153: {  	[hbm4b:s0+s1] =	stream.linear.scatter [tilespmem:s24], [sflag:$0x2], $0x400, $0x38;
	[tilespmem:$0x11A30] =	vst v63  }
0x154: {  	_ =	swait.ge [sflag:s11], $0x400  }
0x155: {  	[sflag:s11] =	ssyncset.done $0x0  }
0x156: {  	s25 =	sadd.s32 $0x20, s25;
	[sflag:s11] =	ssyncadd.s32 $0xFFFFFC00  }
0x157: {  	s1 =	rddreg [dreg:$0x6]  }
0x158: {  	s0 =	rddreg [dreg:$0x4];
	s1 =	sadd.s32 $0x1, s1  }
0x159: {  	p0 =	sne.s32 s1, s0  }
.Ltmp4:
0x15a: {  	_ = 	snop;
	(pc) =	sbr.rel @p0 .LBB2_1-.Ltmp4, $1  }
0x15b: {  	_ =	sdelay $0x3  }
0x15c: {  	_ =	sfence.sel $0x180000  }
0x15d: {  	[bflag:$0x0] =	sbarrier.arrive $0xFFFF  }
0x15e: {  	_ =	strace $0x90000047  }
0x15f: {  	s0 =	stileid.u32;
	[bflag:$0x2] =	sbarrier.arrive $0xFFFF  }
0x160: {  	p0 =	sne.s32 s0, $0x0;
	s0 =	rddreg [dreg:$0x2]  }
0x161: {  	s0 =	sadd.s32 @!p0 $0x100000, s0  }
0x162: {  	[sflag:s0] =	ssyncadd.tile.s32 @!p0 $0x1;
	_ =	shalt  }
.Lfunc_end2:
_tile_overlayer_lowered:
.L_overlay_start_2:
0x163: {  	(tag) =	ssettag $0x2  }
0x164: {  	s0 =	rddreg [dreg:$0x0];
	s2 =	stileid.u32  }
0x165: {  	s1 =	rddreg [dreg:$0x1];
	p0 =	sne.s32 s2, $0x0  }
0x166: {  	s3 =	rddreg [dreg:$0x2];
	[bflag:$0x3] =	sbarrier.arrive $0xFFFF;
	s2 =	simm.s32 @!p0 $0x1C02  }
0x167: {  	[timem:s3], [sflag:s2] =	dma.local @!p0 [hbm:s0], s1  }
0x168: {  	s0 =	simm.s32 @!p0 $0x2  }
0x169: {  	_ =	swait.ge @!p0 [sflag:s0], s1  }
0x16a: {  	s1 =	ssub.s32 @!p0 $0x0, s1;
	[sflag:s0] =	ssyncset.done @!p0 $0x0  }
0x16b: {  	[sflag:s0] =	ssyncadd.s32 @!p0 s1  }
0x16c: {  	[bflag:$0x3] =	sbarrier.arrive $0xFFFF  }
0x16d: {  	_ =	shalt  }

</sc_bundles>
